<compile_context>
chip_gen: v7x
topology: tpu7x:2x2x1
jax: 0.10.2.dev20260603
libtpu: 0.0.44.dev20260713+nightly
codegen_flags: <defaults>
</compile_context>

<pallas_src>
import functools

import jax
import jax.numpy as jnp
from jax import lax
from jax.experimental import pallas as pl
from jax.experimental.pallas import tpu as pltpu
from jax.experimental.pallas import tpu_sc as plsc

T = 2048
H = 768
FF = 1024
E = 64
CAP = 192
S = E * CAP
SPAD = S + 8
NC, NS = 2, 16
NW = NC * NS
BPW = T // NW
H2 = H // 2


def _b16r(v):
    b = lax.bitcast_convert_type(v, jnp.int32)
    return b + 0x7FFF + (lax.shift_right_logical(b, 16) & 1)


def _pack_halves(v):
    lo = _b16r(v[:, :H2])
    hi = _b16r(v[:, H2:])
    return lax.shift_right_logical(lo, 16) | (hi & jnp.int32(-65536))


def _unpack_halves(w):
    lo = lax.bitcast_convert_type(lax.shift_left(w, 16), jnp.float32)
    hi = lax.bitcast_convert_type(w & jnp.int32(-65536), jnp.float32)
    return lo, hi


def _router_body(x_ref, wg_ref, slot_s_ref, slot_g_ref, gate_ref, xpk_ref):
    x = x_ref[...]
    logits = jnp.dot(x, wg_ref[...], preferred_element_type=jnp.float32)
    m = jnp.max(logits, axis=1, keepdims=True)
    ex = jnp.exp(logits - m)
    gate = 1.0 / jnp.sum(ex, axis=1, keepdims=True)
    col = lax.broadcasted_iota(jnp.int32, (T, E), 1)
    idx = jnp.min(jnp.where(logits == m, col, E), axis=1, keepdims=True)
    oh = (col == idx).astype(jnp.float32)
    cum = oh
    k = 1
    while k < T:
        cum = cum + jnp.concatenate(
            [jnp.zeros((k, E), jnp.float32), cum[:T - k]], axis=0)
        k *= 2
    cum = cum - oh
    pos = jnp.sum(cum * oh, axis=1, keepdims=True).astype(jnp.int32)
    keep = pos < CAP
    slot = idx * CAP + pos
    slot_s_ref[...] = jnp.where(keep, slot, S)
    slot_g_ref[...] = jnp.where(keep, slot, S - 1)
    gate_ref[...] = jnp.where(keep, gate, 0.0)
    xpk_ref[...] = _pack_halves(x)


_router = pl.pallas_call(
    _router_body,
    out_shape=(
        jax.ShapeDtypeStruct((T, 1), jnp.int32),
        jax.ShapeDtypeStruct((T, 1), jnp.int32),
        jax.ShapeDtypeStruct((T, 1), jnp.float32),
        jax.ShapeDtypeStruct((T, H2), jnp.int32),
    ),
)


@functools.cache
def _sc_kernels():
    mesh = plsc.VectorSubcoreMesh(
        core_axis_name="c", subcore_axis_name="s", num_cores=NC, num_subcores=NS)
    scratch = [
        pltpu.VMEM((BPW,), jnp.int32),
        pltpu.VMEM((BPW, H2), jnp.int32),
        pltpu.SemaphoreType.DMA,
    ]

    @functools.partial(
        pl.kernel,
        out_type=jax.ShapeDtypeStruct((SPAD, H2), jnp.int32),
        mesh=mesh,
        scratch_types=scratch,
    )
    def dispatch(x_hbm, slot_hbm, xe_hbm, idx_v, rows_v, sem):
        wid = lax.axis_index("s") * NC + lax.axis_index("c")
        base = wid * BPW
        pltpu.sync_copy(slot_hbm.at[pl.ds(base, BPW)], idx_v)
        pltpu.sync_copy(x_hbm.at[pl.ds(base, BPW)], rows_v)
        pltpu.async_copy(rows_v, xe_hbm.at[idx_v], sem).wait()

    @functools.partial(
        pl.kernel,
        out_type=jax.ShapeDtypeStruct((T, H2), jnp.int32),
        mesh=mesh,
        scratch_types=scratch,
    )
    def combine(ye_hbm, slot_hbm, y_hbm, idx_v, rows_v, sem):
        wid = lax.axis_index("s") * NC + lax.axis_index("c")
        base = wid * BPW
        pltpu.sync_copy(slot_hbm.at[pl.ds(base, BPW)], idx_v)
        pltpu.async_copy(ye_hbm.at[idx_v], rows_v, sem).wait()
        pltpu.sync_copy(rows_v, y_hbm.at[pl.ds(base, BPW)])

    return dispatch, combine


def _ffn_body(xe_ref, w1_ref, b1_ref, w2_ref, b2_ref, ye_ref):
    lo, hi = _unpack_halves(xe_ref[...])
    a = (jnp.dot(lo.astype(jnp.bfloat16), w1_ref[0, :H2].astype(jnp.bfloat16),
                 preferred_element_type=jnp.float32)
         + jnp.dot(hi.astype(jnp.bfloat16), w1_ref[0, H2:].astype(jnp.bfloat16),
                   preferred_element_type=jnp.float32)
         + b1_ref[0])
    h = a * (1.0 / (1.0 + jnp.exp(-a)))
    y = jnp.dot(h.astype(jnp.bfloat16), w2_ref[0].astype(jnp.bfloat16),
                preferred_element_type=jnp.float32) + b2_ref[0]
    ye_ref[...] = _pack_halves(y)


_ffn = pl.pallas_call(
    _ffn_body,
    grid=(E,),
    in_specs=[
        pl.BlockSpec((CAP, H2), lambda e: (e, 0)),
        pl.BlockSpec((1, H, FF), lambda e: (e, 0, 0)),
        pl.BlockSpec((1, 1, FF), lambda e: (e, 0, 0)),
        pl.BlockSpec((1, FF, H), lambda e: (e, 0, 0)),
        pl.BlockSpec((1, 1, H), lambda e: (e, 0, 0)),
    ],
    out_specs=pl.BlockSpec((CAP, H2), lambda e: (e, 0)),
    out_shape=jax.ShapeDtypeStruct((S, H2), jnp.int32),
)


def _scale_body(yr_ref, g_ref, out_ref):
    g = g_ref[...]
    lo, hi = _unpack_halves(yr_ref[...])
    out_ref[:, :H2] = jnp.where(g > 0.0, lo * g, 0.0)
    out_ref[:, H2:] = jnp.where(g > 0.0, hi * g, 0.0)


_scale = pl.pallas_call(
    _scale_body,
    out_shape=jax.ShapeDtypeStruct((T, H), jnp.float32),
)


def kernel(hidden_states, Wg, W1, b1, W2, b2):
    orig_shape = hidden_states.shape
    x = hidden_states.reshape(T, H)
    dispatch, combine = _sc_kernels()
    slot_s, slot_g, gate, xpk = _router(x, Wg)
    xe = dispatch(xpk, slot_s.reshape(T))
    ye = _ffn(xe, W1, b1.reshape(E, 1, FF), W2, b2.reshape(E, 1, H))
    y_raw = combine(ye, slot_g.reshape(T))
    y = _scale(y_raw, gate)
    return y.reshape(orig_shape)

# --- scband reference (transcript-rebuilt; emitter-appended) ---
"""Pipeline reference for scband-mo-efeed-forward-35880156791510 (READ-ONLY COPY).

The authoritative reference and input builder live on the scoring server;
editing this copy changes nothing except your own understanding.
"""

import jax, jax.numpy as jnp
import numpy as np

H = 768
FF = 1024
E = 64
CAP = 192  # capacity per expert; T/E=32 mean load, 6x slack so drop_tokens=False is honored in practice


def setup_inputs(seed: int = 0) -> dict:
    key = jax.random.key(seed)
    ks = jax.random.split(key, 6)
    hidden_states = jax.random.normal(ks[0], (1, 2048, H), dtype=jnp.float32)
    Wg = jax.random.normal(ks[1], (H, E), dtype=jnp.float32) * 0.02
    W1 = jax.random.normal(ks[2], (E, H, FF), dtype=jnp.float32) * 0.02
    b1 = jnp.zeros((E, FF), dtype=jnp.float32)
    W2 = jax.random.normal(ks[3], (E, FF, H), dtype=jnp.float32) * 0.02
    b2 = jnp.zeros((E, H), dtype=jnp.float32)
    return {"hidden_states": hidden_states, "Wg": Wg, "W1": W1, "b1": b1, "W2": W2, "b2": b2}


def reference(hidden_states, Wg, W1, b1, W2, b2):
    orig_shape = hidden_states.shape
    x = hidden_states.reshape(-1, orig_shape[-1])  # [T, H]
    # Router: top-1 gating (DeepSpeed top1gating, eval mode -> no jitter noise)
    logits = x @ Wg                                # [T, E]
    probs = jax.nn.softmax(logits, axis=-1)
    gate = jnp.max(probs, axis=-1)                 # [T] gate value of selected expert
    idx = jnp.argmax(probs, axis=-1)               # [T] selected expert
    oh = jax.nn.one_hot(idx, E, dtype=x.dtype)     # [T, E]
    # Position of each token within its expert buffer
    cum = jnp.cumsum(oh, axis=0) - oh              # tokens before this one per expert
    pos = jnp.sum(cum * oh, axis=1).astype(jnp.int32)  # [T]
    keep = (pos < CAP).astype(x.dtype)             # [T]
    pos_oh = jax.nn.one_hot(pos, CAP, dtype=x.dtype)   # [T, CAP]
    dispatch = oh[:, :, None] * pos_oh[:, None, :] * keep[:, None, None]  # [T, E, CAP]
    # Dispatch tokens to expert buffers (all-to-all equivalent)
    xe = jnp.einsum('tec,td->ecd', dispatch, x)    # [E, CAP, H]
    # Expert FFN: fc2(silu(fc1(x)))
    h = jax.nn.silu(jnp.einsum('ecd,edf->ecf', xe, W1) + b1[:, None, :])  # [E, CAP, FF]
    ye = jnp.einsum('ecf,efd->ecd', h, W2) + b2[:, None, :]               # [E, CAP, H]
    # Combine back, weighted by gate
    combine = dispatch * gate[:, None, None]       # [T, E, CAP]
    y = jnp.einsum('tec,ecd->td', combine, ye)     # [T, H]
    return y.reshape(orig_shape)

if __name__ == "__main__":
    import jax
    _d = setup_inputs()
    print(jax.jit(kernel)(*tuple(_d.values())))

</pallas_src>

<mosaic_0001>
#map = affine_map<(d0, d1) -> (0, 0)>
#map1 = affine_map<(d0, d1) -> (0)>
module attributes {stable_mosaic.version = 14 : i64} {
  func.func @combine(%arg0: i32, %arg1: i32, %arg2: memref<12288x384xi32, #tpu.memory_space<hbm>>, %arg3: memref<2048xi32, #tpu.memory_space<hbm>>, %arg4: memref<2048x384xi32, #tpu.memory_space<hbm>>, %arg5: memref<64xi32, #tpu.memory_space<vmem>>, %arg6: memref<64x384xi32, #tpu.memory_space<vmem>>, %arg7: memref<!tpu.dma_semaphore, #tpu.memory_space<semaphore_mem>>) attributes {dimension_semantics = [#tpu.dimension_semantics<core_parallel>, #tpu.dimension_semantics<subcore_parallel>], iteration_bounds = array<i64: 2, 16>, scalar_prefetch = 0 : i64, scratch_operands = 3 : i64, tpu.core_type = #tpu.core_type<sc_vector_subcore>, window_params = [{transform_indices = #map}, {transform_indices = #map1}, {transform_indices = #map}]} {
    %mul3A = arith.constant 2 : i32
    %mul3A_0 = arith.muli %arg1, %mul3A : i32
    %add3A = arith.addi %mul3A_0, %arg0 : i32
    %mul3A_1 = arith.constant 64 : i32
    %mul3A_2 = arith.muli %add3A, %mul3A_1 : i32
    "tpu.region"() ({
      %run_scoped3A = tpu.sem_alloc : memref<!tpu.dma_semaphore, #tpu.memory_space<semaphore_mem>>
      %dma_start3A_7 = tpu.memref_slice %arg3[%mul3A_2] : memref<2048xi32, #tpu.memory_space<hbm>> -> memref<64xi32, #tpu.memory_space<hbm>>
      %dma_start3A_8 = tpu.memref_slice %arg3[%mul3A_2] : memref<2048xi32, #tpu.memory_space<hbm>> -> memref<64xi32, #tpu.memory_space<hbm>>
      tpu.enqueue_dma source(%dma_start3A_8 : memref<64xi32, #tpu.memory_space<hbm>>) target(%arg5 : memref<64xi32, #tpu.memory_space<vmem>>) target_semaphore(%run_scoped3A : memref<!tpu.dma_semaphore, #tpu.memory_space<semaphore_mem>>)
      %dma_wait3A_9 = tpu.memref_slice %arg3[%mul3A_2] : memref<2048xi32, #tpu.memory_space<hbm>> -> memref<64xi32, #tpu.memory_space<hbm>>
      %dma_wait3A_10 = tpu.memref_slice %arg3[%mul3A_2] : memref<2048xi32, #tpu.memory_space<hbm>> -> memref<64xi32, #tpu.memory_space<hbm>>
      tpu.wait_dma2 semaphore(%run_scoped3A : memref<!tpu.dma_semaphore, #tpu.memory_space<semaphore_mem>>) src(%dma_wait3A_10 : memref<64xi32, #tpu.memory_space<hbm>>) dst(%arg5 : memref<64xi32, #tpu.memory_space<vmem>>)
      tpu.yield
    }) : () -> ()
    %dma_start3A = arith.constant 0 : i32
    %dma_start3A_3 = arith.constant 0 : i32
    %dma_start3A_4 = tpu.memref_slice %arg2[%dma_start3A, %dma_start3A_3] : memref<12288x384xi32, #tpu.memory_space<hbm>> -> memref<12288x384xi32, #tpu.memory_space<hbm>>
    tpu.enqueue_indirect_dma source(%dma_start3A_4 : memref<12288x384xi32, #tpu.memory_space<hbm>>) target(%arg6 : memref<64x384xi32, #tpu.memory_space<vmem>>) offsets(%arg5 : memref<64xi32, #tpu.memory_space<vmem>>) semaphore(%arg7 : memref<!tpu.dma_semaphore, #tpu.memory_space<semaphore_mem>>)
    %dma_wait3A = arith.constant 0 : i32
    %dma_wait3A_5 = arith.constant 0 : i32
    %dma_wait3A_6 = tpu.memref_slice %arg2[%dma_wait3A, %dma_wait3A_5] : memref<12288x384xi32, #tpu.memory_space<hbm>> -> memref<12288x384xi32, #tpu.memory_space<hbm>>
    tpu.wait_indirect_dma semaphore(%arg7 : memref<!tpu.dma_semaphore, #tpu.memory_space<semaphore_mem>>) src(%dma_wait3A_6 : memref<12288x384xi32, #tpu.memory_space<hbm>>) dst(%arg6 : memref<64x384xi32, #tpu.memory_space<vmem>>)
    "tpu.region"() ({
      %run_scoped3A = tpu.sem_alloc : memref<!tpu.dma_semaphore, #tpu.memory_space<semaphore_mem>>
      %dma_start3A_7 = arith.constant 0 : i32
      %dma_start3A_8 = tpu.memref_slice %arg4[%mul3A_2, %dma_start3A_7] : memref<2048x384xi32, #tpu.memory_space<hbm>> -> memref<64x384xi32, #tpu.memory_space<hbm>>
      %dma_start3A_9 = arith.constant 0 : i32
      %dma_start3A_10 = tpu.memref_slice %arg4[%mul3A_2, %dma_start3A_9] : memref<2048x384xi32, #tpu.memory_space<hbm>> -> memref<64x384xi32, #tpu.memory_space<hbm>>
      tpu.enqueue_dma source(%arg6 : memref<64x384xi32, #tpu.memory_space<vmem>>) target(%dma_start3A_10 : memref<64x384xi32, #tpu.memory_space<hbm>>) target_semaphore(%run_scoped3A : memref<!tpu.dma_semaphore, #tpu.memory_space<semaphore_mem>>)
      %dma_wait3A_11 = arith.constant 0 : i32
      %dma_wait3A_12 = tpu.memref_slice %arg4[%mul3A_2, %dma_wait3A_11] : memref<2048x384xi32, #tpu.memory_space<hbm>> -> memref<64x384xi32, #tpu.memory_space<hbm>>
      %dma_wait3A_13 = arith.constant 0 : i32
      %dma_wait3A_14 = tpu.memref_slice %arg4[%mul3A_2, %dma_wait3A_13] : memref<2048x384xi32, #tpu.memory_space<hbm>> -> memref<64x384xi32, #tpu.memory_space<hbm>>
      tpu.wait_dma2 semaphore(%run_scoped3A : memref<!tpu.dma_semaphore, #tpu.memory_space<semaphore_mem>>) src(%arg6 : memref<64x384xi32, #tpu.memory_space<vmem>>) dst(%dma_wait3A_14 : memref<64x384xi32, #tpu.memory_space<hbm>>)
      tpu.yield
    }) : () -> ()
    return
  }
}

#map = affine_map<(d0, d1) -> (0, 0)>
#map1 = affine_map<(d0, d1) -> (0)>
module attributes {stable_mosaic.version = 14 : i64} {
  func.func @dispatch(%arg0: i32, %arg1: i32, %arg2: memref<2048x384xi32, #tpu.memory_space<hbm>>, %arg3: memref<2048xi32, #tpu.memory_space<hbm>>, %arg4: memref<12296x384xi32, #tpu.memory_space<hbm>>, %arg5: memref<64xi32, #tpu.memory_space<vmem>>, %arg6: memref<64x384xi32, #tpu.memory_space<vmem>>, %arg7: memref<!tpu.dma_semaphore, #tpu.memory_space<semaphore_mem>>) attributes {dimension_semantics = [#tpu.dimension_semantics<core_parallel>, #tpu.dimension_semantics<subcore_parallel>], iteration_bounds = array<i64: 2, 16>, scalar_prefetch = 0 : i64, scratch_operands = 3 : i64, tpu.core_type = #tpu.core_type<sc_vector_subcore>, window_params = [{transform_indices = #map}, {transform_indices = #map1}, {transform_indices = #map}]} {
    %mul3A = arith.constant 2 : i32
    %mul3A_0 = arith.muli %arg1, %mul3A : i32
    %add3A = arith.addi %mul3A_0, %arg0 : i32
    %mul3A_1 = arith.constant 64 : i32
    %mul3A_2 = arith.muli %add3A, %mul3A_1 : i32
    "tpu.region"() ({
      %run_scoped3A = tpu.sem_alloc : memref<!tpu.dma_semaphore, #tpu.memory_space<semaphore_mem>>
      %dma_start3A_7 = tpu.memref_slice %arg3[%mul3A_2] : memref<2048xi32, #tpu.memory_space<hbm>> -> memref<64xi32, #tpu.memory_space<hbm>>
      %dma_start3A_8 = tpu.memref_slice %arg3[%mul3A_2] : memref<2048xi32, #tpu.memory_space<hbm>> -> memref<64xi32, #tpu.memory_space<hbm>>
      tpu.enqueue_dma source(%dma_start3A_8 : memref<64xi32, #tpu.memory_space<hbm>>) target(%arg5 : memref<64xi32, #tpu.memory_space<vmem>>) target_semaphore(%run_scoped3A : memref<!tpu.dma_semaphore, #tpu.memory_space<semaphore_mem>>)
      %dma_wait3A_9 = tpu.memref_slice %arg3[%mul3A_2] : memref<2048xi32, #tpu.memory_space<hbm>> -> memref<64xi32, #tpu.memory_space<hbm>>
      %dma_wait3A_10 = tpu.memref_slice %arg3[%mul3A_2] : memref<2048xi32, #tpu.memory_space<hbm>> -> memref<64xi32, #tpu.memory_space<hbm>>
      tpu.wait_dma2 semaphore(%run_scoped3A : memref<!tpu.dma_semaphore, #tpu.memory_space<semaphore_mem>>) src(%dma_wait3A_10 : memref<64xi32, #tpu.memory_space<hbm>>) dst(%arg5 : memref<64xi32, #tpu.memory_space<vmem>>)
      tpu.yield
    }) : () -> ()
    "tpu.region"() ({
      %run_scoped3A = tpu.sem_alloc : memref<!tpu.dma_semaphore, #tpu.memory_space<semaphore_mem>>
      %dma_start3A_7 = arith.constant 0 : i32
      %dma_start3A_8 = tpu.memref_slice %arg2[%mul3A_2, %dma_start3A_7] : memref<2048x384xi32, #tpu.memory_space<hbm>> -> memref<64x384xi32, #tpu.memory_space<hbm>>
      %dma_start3A_9 = arith.constant 0 : i32
      %dma_start3A_10 = tpu.memref_slice %arg2[%mul3A_2, %dma_start3A_9] : memref<2048x384xi32, #tpu.memory_space<hbm>> -> memref<64x384xi32, #tpu.memory_space<hbm>>
      tpu.enqueue_dma source(%dma_start3A_10 : memref<64x384xi32, #tpu.memory_space<hbm>>) target(%arg6 : memref<64x384xi32, #tpu.memory_space<vmem>>) target_semaphore(%run_scoped3A : memref<!tpu.dma_semaphore, #tpu.memory_space<semaphore_mem>>)
      %dma_wait3A_11 = arith.constant 0 : i32
      %dma_wait3A_12 = tpu.memref_slice %arg2[%mul3A_2, %dma_wait3A_11] : memref<2048x384xi32, #tpu.memory_space<hbm>> -> memref<64x384xi32, #tpu.memory_space<hbm>>
      %dma_wait3A_13 = arith.constant 0 : i32
      %dma_wait3A_14 = tpu.memref_slice %arg2[%mul3A_2, %dma_wait3A_13] : memref<2048x384xi32, #tpu.memory_space<hbm>> -> memref<64x384xi32, #tpu.memory_space<hbm>>
      tpu.wait_dma2 semaphore(%run_scoped3A : memref<!tpu.dma_semaphore, #tpu.memory_space<semaphore_mem>>) src(%dma_wait3A_14 : memref<64x384xi32, #tpu.memory_space<hbm>>) dst(%arg6 : memref<64x384xi32, #tpu.memory_space<vmem>>)
      tpu.yield
    }) : () -> ()
    %dma_start3A = arith.constant 0 : i32
    %dma_start3A_3 = arith.constant 0 : i32
    %dma_start3A_4 = tpu.memref_slice %arg4[%dma_start3A, %dma_start3A_3] : memref<12296x384xi32, #tpu.memory_space<hbm>> -> memref<12296x384xi32, #tpu.memory_space<hbm>>
    tpu.enqueue_indirect_dma source(%arg6 : memref<64x384xi32, #tpu.memory_space<vmem>>) target(%dma_start3A_4 : memref<12296x384xi32, #tpu.memory_space<hbm>>) offsets(%arg5 : memref<64xi32, #tpu.memory_space<vmem>>) semaphore(%arg7 : memref<!tpu.dma_semaphore, #tpu.memory_space<semaphore_mem>>)
    %dma_wait3A = arith.constant 0 : i32
    %dma_wait3A_5 = arith.constant 0 : i32
    %dma_wait3A_6 = tpu.memref_slice %arg4[%dma_wait3A, %dma_wait3A_5] : memref<12296x384xi32, #tpu.memory_space<hbm>> -> memref<12296x384xi32, #tpu.memory_space<hbm>>
    tpu.wait_indirect_dma semaphore(%arg7 : memref<!tpu.dma_semaphore, #tpu.memory_space<semaphore_mem>>) src(%arg6 : memref<64x384xi32, #tpu.memory_space<vmem>>) dst(%dma_wait3A_6 : memref<12296x384xi32, #tpu.memory_space<hbm>>)
    return
  }
}

module attributes {stable_mosaic.version = 14 : i64} {
  func.func @_router_body(%arg0: memref<2048x768xf32, #tpu.memory_space<vmem>>, %arg1: memref<768x64xf32, #tpu.memory_space<vmem>>, %arg2: memref<2048x1xi32, #tpu.memory_space<vmem>>, %arg3: memref<2048x1xi32, #tpu.memory_space<vmem>>, %arg4: memref<2048x1xf32, #tpu.memory_space<vmem>>, %arg5: memref<2048x384xi32, #tpu.memory_space<vmem>>) attributes {dimension_semantics = [], scalar_prefetch = 0 : i64, scratch_operands = 0 : i64, tpu.core_type = #tpu.core_type<tc>} {
    %get3A = arith.constant 0 : index
    %get3A_0 = arith.constant 0 : index
    %get3A_1 = vector.load %arg0[%get3A, %get3A_0] : memref<2048x768xf32, #tpu.memory_space<vmem>>, vector<2048x768xf32>
    %get3A_2 = arith.constant 0 : index
    %get3A_3 = arith.constant 0 : index
    %get3A_4 = vector.load %arg1[%get3A_2, %get3A_3] : memref<768x64xf32, #tpu.memory_space<vmem>>, vector<768x64xf32>
    %dot_general3A = arith.constant dense<0.000000e+00> : vector<2048x64xf32>
    %dot_general3A_5 = tpu.matmul %get3A_1, %get3A_4, %dot_general3A {dimension_numbers = #tpu.dot_dimension_numbers<[1], [0], [0], [1], [0, 0, 1, 1], [], []>, transpose_lhs_hint = false} : vector<2048x768xf32>, vector<768x64xf32>, vector<2048x64xf32> -> vector<2048x64xf32>
    %reduce_max3A = arith.constant dense<0xFF800000> : vector<2048xf32>
    %reduce_max3A_6 = vector.multi_reduction <maximumf>, %dot_general3A_5, %reduce_max3A [1] : vector<2048x64xf32> to vector<2048xf32>
    %broadcast_in_dim3A = vector.shape_cast %reduce_max3A_6 : vector<2048xf32> to vector<2048x1xf32>
    %sub3A = vector.broadcast %broadcast_in_dim3A : vector<2048x1xf32> to vector<2048x64xf32>
    %sub3A_7 = arith.subf %dot_general3A_5, %sub3A : vector<2048x64xf32>
    %exp3A = math.exp %sub3A_7 : vector<2048x64xf32>
    %reduce_sum3A = arith.constant dense<0.000000e+00> : vector<2048xf32>
    %reduce_sum3A_8 = vector.multi_reduction <add>, %exp3A, %reduce_sum3A [1] : vector<2048x64xf32> to vector<2048xf32>
    %broadcast_in_dim3A_9 = vector.shape_cast %reduce_sum3A_8 : vector<2048xf32> to vector<2048x1xf32>
    %div3A = arith.constant 1.000000e+00 : f32
    %div3A_10 = vector.broadcast %div3A : f32 to vector<2048x1xf32>
    %div3A_11 = arith.divf %div3A_10, %broadcast_in_dim3A_9 : vector<2048x1xf32>
    %iota3A = tpu.iota {dimensions = array<i32: 1>} : vector<2048x64xi32>
    %eq3A = vector.broadcast %broadcast_in_dim3A : vector<2048x1xf32> to vector<2048x64xf32>
    %eq3A_12 = arith.cmpf oeq, %dot_general3A_5, %eq3A : vector<2048x64xf32>
    %jit3A = arith.constant 64 : i32
    %broadcast_in_dim3A_13 = vector.broadcast %jit3A : i32 to vector<2048x64xi32>
    %select_n3A = arith.select %eq3A_12, %iota3A, %broadcast_in_dim3A_13 : vector<2048x64xi1>, vector<2048x64xi32>
    %reduce_min3A = arith.constant dense<2147483647> : vector<2048xi32>
    %reduce_min3A_14 = vector.multi_reduction <minsi>, %select_n3A, %reduce_min3A [1] : vector<2048x64xi32> to vector<2048xi32>
    %broadcast_in_dim3A_15 = vector.shape_cast %reduce_min3A_14 : vector<2048xi32> to vector<2048x1xi32>
    %eq3A_16 = vector.broadcast %broadcast_in_dim3A_15 : vector<2048x1xi32> to vector<2048x64xi32>
    %eq3A_17 = arith.cmpi eq, %iota3A, %eq3A_16 : vector<2048x64xi32>
    %convert_element_type3A = arith.extui %eq3A_17 : vector<2048x64xi1> to vector<2048x64xi32>
    %convert_element_type3A_18 = arith.sitofp %convert_element_type3A : vector<2048x64xi32> to vector<2048x64xf32>
    %broadcast_in_dim3A_19 = arith.constant 0.000000e+00 : f32
    %broadcast_in_dim3A_20 = vector.broadcast %broadcast_in_dim3A_19 : f32 to vector<1x64xf32>
    %slice3A = vector.extract_strided_slice %convert_element_type3A_18 {offsets = [0, 0], sizes = [2047, 64], strides = [1, 1]} : vector<2048x64xf32> to vector<2047x64xf32>
    %concatenate3A = tpu.concatenate %broadcast_in_dim3A_20, %slice3A in 0 : vector<1x64xf32>, vector<2047x64xf32> -> vector<2048x64xf32>
    %add3A = arith.addf %convert_element_type3A_18, %concatenate3A : vector<2048x64xf32>
    %broadcast_in_dim3A_21 = arith.constant 0.000000e+00 : f32
    %broadcast_in_dim3A_22 = vector.broadcast %broadcast_in_dim3A_21 : f32 to vector<2x64xf32>
    %slice3A_23 = vector.extract_strided_slice %add3A {offsets = [0, 0], sizes = [2046, 64], strides = [1, 1]} : vector<2048x64xf32> to vector<2046x64xf32>
    %concatenate3A_24 = tpu.concatenate %broadcast_in_dim3A_22, %slice3A_23 in 0 : vector<2x64xf32>, vector<2046x64xf32> -> vector<2048x64xf32>
    %add3A_25 = arith.addf %add3A, %concatenate3A_24 : vector<2048x64xf32>
    %broadcast_in_dim3A_26 = arith.constant 0.000000e+00 : f32
    %broadcast_in_dim3A_27 = vector.broadcast %broadcast_in_dim3A_26 : f32 to vector<4x64xf32>
    %slice3A_28 = vector.extract_strided_slice %add3A_25 {offsets = [0, 0], sizes = [2044, 64], strides = [1, 1]} : vector<2048x64xf32> to vector<2044x64xf32>
    %concatenate3A_29 = tpu.concatenate %broadcast_in_dim3A_27, %slice3A_28 in 0 : vector<4x64xf32>, vector<2044x64xf32> -> vector<2048x64xf32>
    %add3A_30 = arith.addf %add3A_25, %concatenate3A_29 : vector<2048x64xf32>
    %broadcast_in_dim3A_31 = arith.constant 0.000000e+00 : f32
    %broadcast_in_dim3A_32 = vector.broadcast %broadcast_in_dim3A_31 : f32 to vector<8x64xf32>
    %slice3A_33 = vector.extract_strided_slice %add3A_30 {offsets = [0, 0], sizes = [2040, 64], strides = [1, 1]} : vector<2048x64xf32> to vector<2040x64xf32>
    %concatenate3A_34 = tpu.concatenate %broadcast_in_dim3A_32, %slice3A_33 in 0 : vector<8x64xf32>, vector<2040x64xf32> -> vector<2048x64xf32>
    %add3A_35 = arith.addf %add3A_30, %concatenate3A_34 : vector<2048x64xf32>
    %broadcast_in_dim3A_36 = arith.constant 0.000000e+00 : f32
    %broadcast_in_dim3A_37 = vector.broadcast %broadcast_in_dim3A_36 : f32 to vector<16x64xf32>
    %slice3A_38 = vector.extract_strided_slice %add3A_35 {offsets = [0, 0], sizes = [2032, 64], strides = [1, 1]} : vector<2048x64xf32> to vector<2032x64xf32>
    %concatenate3A_39 = tpu.concatenate %broadcast_in_dim3A_37, %slice3A_38 in 0 : vector<16x64xf32>, vector<2032x64xf32> -> vector<2048x64xf32>
    %add3A_40 = arith.addf %add3A_35, %concatenate3A_39 : vector<2048x64xf32>
    %broadcast_in_dim3A_41 = arith.constant 0.000000e+00 : f32
    %broadcast_in_dim3A_42 = vector.broadcast %broadcast_in_dim3A_41 : f32 to vector<32x64xf32>
    %slice3A_43 = vector.extract_strided_slice %add3A_40 {offsets = [0, 0], sizes = [2016, 64], strides = [1, 1]} : vector<2048x64xf32> to vector<2016x64xf32>
    %concatenate3A_44 = tpu.concatenate %broadcast_in_dim3A_42, %slice3A_43 in 0 : vector<32x64xf32>, vector<2016x64xf32> -> vector<2048x64xf32>
    %add3A_45 = arith.addf %add3A_40, %concatenate3A_44 : vector<2048x64xf32>
    %broadcast_in_dim3A_46 = arith.constant 0.000000e+00 : f32
    %broadcast_in_dim3A_47 = vector.broadcast %broadcast_in_dim3A_46 : f32 to vector<64x64xf32>
    %slice3A_48 = vector.extract_strided_slice %add3A_45 {offsets = [0, 0], sizes = [1984, 64], strides = [1, 1]} : vector<2048x64xf32> to vector<1984x64xf32>
    %concatenate3A_49 = tpu.concatenate %broadcast_in_dim3A_47, %slice3A_48 in 0 : vector<64x64xf32>, vector<1984x64xf32> -> vector<2048x64xf32>
    %add3A_50 = arith.addf %add3A_45, %concatenate3A_49 : vector<2048x64xf32>
    %broadcast_in_dim3A_51 = arith.constant 0.000000e+00 : f32
    %broadcast_in_dim3A_52 = vector.broadcast %broadcast_in_dim3A_51 : f32 to vector<128x64xf32>
    %slice3A_53 = vector.extract_strided_slice %add3A_50 {offsets = [0, 0], sizes = [1920, 64], strides = [1, 1]} : vector<2048x64xf32> to vector<1920x64xf32>
    %concatenate3A_54 = tpu.concatenate %broadcast_in_dim3A_52, %slice3A_53 in 0 : vector<128x64xf32>, vector<1920x64xf32> -> vector<2048x64xf32>
    %add3A_55 = arith.addf %add3A_50, %concatenate3A_54 : vector<2048x64xf32>
    %broadcast_in_dim3A_56 = arith.constant 0.000000e+00 : f32
    %broadcast_in_dim3A_57 = vector.broadcast %broadcast_in_dim3A_56 : f32 to vector<256x64xf32>
    %slice3A_58 = vector.extract_strided_slice %add3A_55 {offsets = [0, 0], sizes = [1792, 64], strides = [1, 1]} : vector<2048x64xf32> to vector<1792x64xf32>
    %concatenate3A_59 = tpu.concatenate %broadcast_in_dim3A_57, %slice3A_58 in 0 : vector<256x64xf32>, vector<1792x64xf32> -> vector<2048x64xf32>
    %add3A_60 = arith.addf %add3A_55, %concatenate3A_59 : vector<2048x64xf32>
    %broadcast_in_dim3A_61 = arith.constant 0.000000e+00 : f32
    %broadcast_in_dim3A_62 = vector.broadcast %broadcast_in_dim3A_61 : f32 to vector<512x64xf32>
    %slice3A_63 = vector.extract_strided_slice %add3A_60 {offsets = [0, 0], sizes = [1536, 64], strides = [1, 1]} : vector<2048x64xf32> to vector<1536x64xf32>
    %concatenate3A_64 = tpu.concatenate %broadcast_in_dim3A_62, %slice3A_63 in 0 : vector<512x64xf32>, vector<1536x64xf32> -> vector<2048x64xf32>
    %add3A_65 = arith.addf %add3A_60, %concatenate3A_64 : vector<2048x64xf32>
    %broadcast_in_dim3A_66 = arith.constant 0.000000e+00 : f32
    %broadcast_in_dim3A_67 = vector.broadcast %broadcast_in_dim3A_66 : f32 to vector<1024x64xf32>
    %slice3A_68 = vector.extract_strided_slice %add3A_65 {offsets = [0, 0], sizes = [1024, 64], strides = [1, 1]} : vector<2048x64xf32> to vector<1024x64xf32>
    %concatenate3A_69 = tpu.concatenate %broadcast_in_dim3A_67, %slice3A_68 in 0 : vector<1024x64xf32>, vector<1024x64xf32> -> vector<2048x64xf32>
    %add3A_70 = arith.addf %add3A_65, %concatenate3A_69 : vector<2048x64xf32>
    %sub3A_71 = arith.subf %add3A_70, %convert_element_type3A_18 : vector<2048x64xf32>
    %mul3A = arith.mulf %sub3A_71, %convert_element_type3A_18 : vector<2048x64xf32>
    %reduce_sum3A_72 = arith.constant dense<0.000000e+00> : vector<2048xf32>
    %reduce_sum3A_73 = vector.multi_reduction <add>, %mul3A, %reduce_sum3A_72 [1] : vector<2048x64xf32> to vector<2048xf32>
    %broadcast_in_dim3A_74 = vector.shape_cast %reduce_sum3A_73 : vector<2048xf32> to vector<2048x1xf32>
    %convert_element_type3A_75 = arith.fptosi %broadcast_in_dim3A_74 : vector<2048x1xf32> to vector<2048x1xi32>
    %lt3A = arith.constant 192 : i32
    %lt3A_76 = vector.broadcast %lt3A : i32 to vector<2048x1xi32>
    %lt3A_77 = arith.cmpi slt, %convert_element_type3A_75, %lt3A_76 : vector<2048x1xi32>
    %mul3A_78 = arith.constant 192 : i32
    %mul3A_79 = vector.broadcast %mul3A_78 : i32 to vector<2048x1xi32>
    %mul3A_80 = arith.muli %broadcast_in_dim3A_15, %mul3A_79 : vector<2048x1xi32>
    %add3A_81 = arith.addi %mul3A_80, %convert_element_type3A_75 : vector<2048x1xi32>
    %jit3A_82 = arith.constant 12288 : i32
    %broadcast_in_dim3A_83 = vector.broadcast %jit3A_82 : i32 to vector<2048x1xi32>
    %select_n3A_84 = arith.select %lt3A_77, %add3A_81, %broadcast_in_dim3A_83 : vector<2048x1xi1>, vector<2048x1xi32>
    %swap3A = arith.constant 0 : index
    %swap3A_85 = arith.constant 0 : index
    %swap3A_86 = vector.load %arg2[%swap3A, %swap3A_85] : memref<2048x1xi32, #tpu.memory_space<vmem>>, vector<2048x1xi32>
    tpu.vector_store %arg2[%swap3A, %swap3A_85], %select_n3A_84 {strides = array<i32>} : memref<2048x1xi32, #tpu.memory_space<vmem>>, vector<2048x1xi32>,
    %jit3A_87 = arith.constant 12287 : i32
    %broadcast_in_dim3A_88 = vector.broadcast %jit3A_87 : i32 to vector<2048x1xi32>
    %select_n3A_89 = arith.select %lt3A_77, %add3A_81, %broadcast_in_dim3A_88 : vector<2048x1xi1>, vector<2048x1xi32>
    %swap3A_90 = arith.constant 0 : index
    %swap3A_91 = arith.constant 0 : index
    %swap3A_92 = vector.load %arg3[%swap3A_90, %swap3A_91] : memref<2048x1xi32, #tpu.memory_space<vmem>>, vector<2048x1xi32>
    tpu.vector_store %arg3[%swap3A_90, %swap3A_91], %select_n3A_89 {strides = array<i32>} : memref<2048x1xi32, #tpu.memory_space<vmem>>, vector<2048x1xi32>,
    %jit3A_93 = arith.constant 0.000000e+00 : f32
    %broadcast_in_dim3A_94 = vector.broadcast %jit3A_93 : f32 to vector<2048x1xf32>
    %select_n3A_95 = arith.select %lt3A_77, %div3A_11, %broadcast_in_dim3A_94 : vector<2048x1xi1>, vector<2048x1xf32>
    %swap3A_96 = arith.constant 0 : index
    %swap3A_97 = arith.constant 0 : index
    %swap3A_98 = vector.load %arg4[%swap3A_96, %swap3A_97] : memref<2048x1xf32, #tpu.memory_space<vmem>>, vector<2048x1xf32>
    tpu.vector_store %arg4[%swap3A_96, %swap3A_97], %select_n3A_95 {strides = array<i32>} : memref<2048x1xf32, #tpu.memory_space<vmem>>, vector<2048x1xf32>,
    %slice3A_99 = vector.extract_strided_slice %get3A_1 {offsets = [0, 0], sizes = [2048, 384], strides = [1, 1]} : vector<2048x768xf32> to vector<2048x384xf32>
    %bitcast_convert_type3A = tpu.bitcast %slice3A_99 : vector<2048x384xf32> -> vector<2048x384xi32>
    %add3A_100 = arith.constant 32767 : i32
    %add3A_101 = vector.broadcast %add3A_100 : i32 to vector<2048x384xi32>
    %add3A_102 = arith.addi %bitcast_convert_type3A, %add3A_101 : vector<2048x384xi32>
    %shift_right_logical3A = arith.constant 16 : i32
    %shift_right_logical3A_103 = vector.broadcast %shift_right_logical3A : i32 to vector<2048x384xi32>
    %shift_right_logical3A_104 = arith.shrui %bitcast_convert_type3A, %shift_right_logical3A_103 : vector<2048x384xi32>
    %and3A = arith.constant 1 : i32
    %and3A_105 = vector.broadcast %and3A : i32 to vector<2048x384xi32>
    %and3A_106 = arith.andi %shift_right_logical3A_104, %and3A_105 : vector<2048x384xi32>
    %add3A_107 = arith.addi %add3A_102, %and3A_106 : vector<2048x384xi32>
    %slice3A_108 = vector.extract_strided_slice %get3A_1 {offsets = [0, 384], sizes = [2048, 384], strides = [1, 1]} : vector<2048x768xf32> to vector<2048x384xf32>
    %bitcast_convert_type3A_109 = tpu.bitcast %slice3A_108 : vector<2048x384xf32> -> vector<2048x384xi32>
    %add3A_110 = arith.constant 32767 : i32
    %add3A_111 = vector.broadcast %add3A_110 : i32 to vector<2048x384xi32>
    %add3A_112 = arith.addi %bitcast_convert_type3A_109, %add3A_111 : vector<2048x384xi32>
    %shift_right_logical3A_113 = arith.constant 16 : i32
    %shift_right_logical3A_114 = vector.broadcast %shift_right_logical3A_113 : i32 to vector<2048x384xi32>
    %shift_right_logical3A_115 = arith.shrui %bitcast_convert_type3A_109, %shift_right_logical3A_114 : vector<2048x384xi32>
    %and3A_116 = arith.constant 1 : i32
    %and3A_117 = vector.broadcast %and3A_116 : i32 to vector<2048x384xi32>
    %and3A_118 = arith.andi %shift_right_logical3A_115, %and3A_117 : vector<2048x384xi32>
    %add3A_119 = arith.addi %add3A_112, %and3A_118 : vector<2048x384xi32>
    %shift_right_logical3A_120 = arith.constant 16 : i32
    %shift_right_logical3A_121 = vector.broadcast %shift_right_logical3A_120 : i32 to vector<2048x384xi32>
    %shift_right_logical3A_122 = arith.shrui %add3A_107, %shift_right_logical3A_121 : vector<2048x384xi32>
    %and3A_123 = arith.constant -65536 : i32
    %and3A_124 = vector.broadcast %and3A_123 : i32 to vector<2048x384xi32>
    %and3A_125 = arith.andi %add3A_119, %and3A_124 : vector<2048x384xi32>
    %or3A = arith.ori %shift_right_logical3A_122, %and3A_125 : vector<2048x384xi32>
    %swap3A_126 = arith.constant 0 : index
    %swap3A_127 = arith.constant 0 : index
    %swap3A_128 = vector.load %arg5[%swap3A_126, %swap3A_127] : memref<2048x384xi32, #tpu.memory_space<vmem>>, vector<2048x384xi32>
    tpu.vector_store %arg5[%swap3A_126, %swap3A_127], %or3A {strides = array<i32>} : memref<2048x384xi32, #tpu.memory_space<vmem>>, vector<2048x384xi32>,
    return
  }
}

module attributes {stable_mosaic.version = 14 : i64} {
  func.func @_ffn_body(%arg0: i32, %arg1: memref<192x384xi32, #tpu.memory_space<vmem>>, %arg2: memref<1x768x1024xf32, #tpu.memory_space<vmem>>, %arg3: memref<1x1x1024xf32, #tpu.memory_space<vmem>>, %arg4: memref<1x1024x768xf32, #tpu.memory_space<vmem>>, %arg5: memref<1x1x768xf32, #tpu.memory_space<vmem>>, %arg6: memref<192x384xi32, #tpu.memory_space<vmem>>) attributes {dimension_semantics = [#tpu.dimension_semantics<arbitrary>], iteration_bounds = array<i64: 64>, scalar_prefetch = 0 : i64, scratch_operands = 0 : i64, tpu.core_type = #tpu.core_type<tc>, window_params = [{transform_indices = @transform_0, window_bounds = array<i64: 192, 384>}, {transform_indices = @transform_1, window_bounds = array<i64: 1, 768, 1024>}, {transform_indices = @transform_2, window_bounds = array<i64: 1, 1, 1024>}, {transform_indices = @transform_3, window_bounds = array<i64: 1, 1024, 768>}, {transform_indices = @transform_4, window_bounds = array<i64: 1, 1, 768>}, {transform_indices = @transform_5, window_bounds = array<i64: 192, 384>}]} {
    %get3A = arith.constant 0 : index
    %get3A_0 = arith.constant 0 : index
    %get3A_1 = vector.load %arg1[%get3A, %get3A_0] : memref<192x384xi32, #tpu.memory_space<vmem>>, vector<192x384xi32>
    %shift_left3A = arith.constant 16 : i32
    %shift_left3A_2 = vector.broadcast %shift_left3A : i32 to vector<192x384xi32>
    %shift_left3A_3 = arith.shli %get3A_1, %shift_left3A_2 : vector<192x384xi32>
    %bitcast_convert_type3A = tpu.bitcast %shift_left3A_3 : vector<192x384xi32> -> vector<192x384xf32>
    %and3A = arith.constant -65536 : i32
    %and3A_4 = vector.broadcast %and3A : i32 to vector<192x384xi32>
    %and3A_5 = arith.andi %get3A_1, %and3A_4 : vector<192x384xi32>
    %bitcast_convert_type3A_6 = tpu.bitcast %and3A_5 : vector<192x384xi32> -> vector<192x384xf32>
    %convert_element_type3A = arith.truncf %bitcast_convert_type3A : vector<192x384xf32> to vector<192x384xbf16>
    %get3A_7 = arith.constant 0 : index
    %get3A_8 = arith.constant 0 : index
    %get3A_9 = arith.constant 0 : index
    %get3A_10 = vector.load %arg2[%get3A_7, %get3A_8, %get3A_9] : memref<1x768x1024xf32, #tpu.memory_space<vmem>>, vector<1x384x1024xf32>
    %get3A_11 = vector.shape_cast %get3A_10 : vector<1x384x1024xf32> to vector<384x1024xf32>
    %convert_element_type3A_12 = arith.truncf %get3A_11 : vector<384x1024xf32> to vector<384x1024xbf16>
    %dot_general3A = arith.constant dense<0.000000e+00> : vector<192x1024xf32>
    %dot_general3A_13 = tpu.matmul %convert_element_type3A, %convert_element_type3A_12, %dot_general3A {dimension_numbers = #tpu.dot_dimension_numbers<[1], [0], [0], [1], [0, 0, 1, 1], [], []>, transpose_lhs_hint = false} : vector<192x384xbf16>, vector<384x1024xbf16>, vector<192x1024xf32> -> vector<192x1024xf32>
    %convert_element_type3A_14 = arith.truncf %bitcast_convert_type3A_6 : vector<192x384xf32> to vector<192x384xbf16>
    %get3A_15 = arith.constant 0 : index
    %get3A_16 = arith.constant 384 : index
    %get3A_17 = arith.constant 0 : index
    %get3A_18 = vector.load %arg2[%get3A_15, %get3A_16, %get3A_17] : memref<1x768x1024xf32, #tpu.memory_space<vmem>>, vector<1x384x1024xf32>
    %get3A_19 = vector.shape_cast %get3A_18 : vector<1x384x1024xf32> to vector<384x1024xf32>
    %convert_element_type3A_20 = arith.truncf %get3A_19 : vector<384x1024xf32> to vector<384x1024xbf16>
    %dot_general3A_21 = arith.constant dense<0.000000e+00> : vector<192x1024xf32>
    %dot_general3A_22 = tpu.matmul %convert_element_type3A_14, %convert_element_type3A_20, %dot_general3A_21 {dimension_numbers = #tpu.dot_dimension_numbers<[1], [0], [0], [1], [0, 0, 1, 1], [], []>, transpose_lhs_hint = false} : vector<192x384xbf16>, vector<384x1024xbf16>, vector<192x1024xf32> -> vector<192x1024xf32>
    %add3A = arith.addf %dot_general3A_13, %dot_general3A_22 : vector<192x1024xf32>
    %get3A_23 = arith.constant 0 : index
    %get3A_24 = arith.constant 0 : index
    %get3A_25 = arith.constant 0 : index
    %get3A_26 = vector.load %arg3[%get3A_23, %get3A_24, %get3A_25] : memref<1x1x1024xf32, #tpu.memory_space<vmem>>, vector<1x1x1024xf32>
    %get3A_27 = vector.shape_cast %get3A_26 : vector<1x1x1024xf32> to vector<1x1024xf32>
    %add3A_28 = vector.broadcast %get3A_27 : vector<1x1024xf32> to vector<192x1024xf32>
    %add3A_29 = arith.addf %add3A, %add3A_28 : vector<192x1024xf32>
    %neg3A = arith.constant 0.000000e+00 : f32
    %neg3A_30 = vector.broadcast %neg3A : f32 to vector<192x1024xf32>
    %neg3A_31 = arith.subf %neg3A_30, %add3A_29 : vector<192x1024xf32>
    %exp3A = math.exp %neg3A_31 : vector<192x1024xf32>
    %add3A_32 = arith.constant 1.000000e+00 : f32
    %add3A_33 = vector.broadcast %add3A_32 : f32 to vector<192x1024xf32>
    %add3A_34 = arith.addf %add3A_33, %exp3A : vector<192x1024xf32>
    %div3A = arith.constant 1.000000e+00 : f32
    %div3A_35 = vector.broadcast %div3A : f32 to vector<192x1024xf32>
    %div3A_36 = arith.divf %div3A_35, %add3A_34 : vector<192x1024xf32>
    %mul3A = arith.mulf %add3A_29, %div3A_36 : vector<192x1024xf32>
    %convert_element_type3A_37 = arith.truncf %mul3A : vector<192x1024xf32> to vector<192x1024xbf16>
    %get3A_38 = arith.constant 0 : index
    %get3A_39 = arith.constant 0 : index
    %get3A_40 = arith.constant 0 : index
    %get3A_41 = vector.load %arg4[%get3A_38, %get3A_39, %get3A_40] : memref<1x1024x768xf32, #tpu.memory_space<vmem>>, vector<1x1024x768xf32>
    %get3A_42 = vector.shape_cast %get3A_41 : vector<1x1024x768xf32> to vector<1024x768xf32>
    %convert_element_type3A_43 = arith.truncf %get3A_42 : vector<1024x768xf32> to vector<1024x768xbf16>
    %dot_general3A_44 = arith.constant dense<0.000000e+00> : vector<192x768xf32>
    %dot_general3A_45 = tpu.matmul %convert_element_type3A_37, %convert_element_type3A_43, %dot_general3A_44 {dimension_numbers = #tpu.dot_dimension_numbers<[1], [0], [0], [1], [0, 0, 1, 1], [], []>, transpose_lhs_hint = false} : vector<192x1024xbf16>, vector<1024x768xbf16>, vector<192x768xf32> -> vector<192x768xf32>
    %get3A_46 = arith.constant 0 : index
    %get3A_47 = arith.constant 0 : index
    %get3A_48 = arith.constant 0 : index
    %get3A_49 = vector.load %arg5[%get3A_46, %get3A_47, %get3A_48] : memref<1x1x768xf32, #tpu.memory_space<vmem>>, vector<1x1x768xf32>
    %get3A_50 = vector.shape_cast %get3A_49 : vector<1x1x768xf32> to vector<1x768xf32>
    %add3A_51 = vector.broadcast %get3A_50 : vector<1x768xf32> to vector<192x768xf32>
    %add3A_52 = arith.addf %dot_general3A_45, %add3A_51 : vector<192x768xf32>
    %slice3A = vector.extract_strided_slice %add3A_52 {offsets = [0, 0], sizes = [192, 384], strides = [1, 1]} : vector<192x768xf32> to vector<192x384xf32>
    %bitcast_convert_type3A_53 = tpu.bitcast %slice3A : vector<192x384xf32> -> vector<192x384xi32>
    %add3A_54 = arith.constant 32767 : i32
    %add3A_55 = vector.broadcast %add3A_54 : i32 to vector<192x384xi32>
    %add3A_56 = arith.addi %bitcast_convert_type3A_53, %add3A_55 : vector<192x384xi32>
    %shift_right_logical3A = arith.constant 16 : i32
    %shift_right_logical3A_57 = vector.broadcast %shift_right_logical3A : i32 to vector<192x384xi32>
    %shift_right_logical3A_58 = arith.shrui %bitcast_convert_type3A_53, %shift_right_logical3A_57 : vector<192x384xi32>
    %and3A_59 = arith.constant 1 : i32
    %and3A_60 = vector.broadcast %and3A_59 : i32 to vector<192x384xi32>
    %and3A_61 = arith.andi %shift_right_logical3A_58, %and3A_60 : vector<192x384xi32>
    %add3A_62 = arith.addi %add3A_56, %and3A_61 : vector<192x384xi32>
    %slice3A_63 = vector.extract_strided_slice %add3A_52 {offsets = [0, 384], sizes = [192, 384], strides = [1, 1]} : vector<192x768xf32> to vector<192x384xf32>
    %bitcast_convert_type3A_64 = tpu.bitcast %slice3A_63 : vector<192x384xf32> -> vector<192x384xi32>
    %add3A_65 = arith.constant 32767 : i32
    %add3A_66 = vector.broadcast %add3A_65 : i32 to vector<192x384xi32>
    %add3A_67 = arith.addi %bitcast_convert_type3A_64, %add3A_66 : vector<192x384xi32>
    %shift_right_logical3A_68 = arith.constant 16 : i32
    %shift_right_logical3A_69 = vector.broadcast %shift_right_logical3A_68 : i32 to vector<192x384xi32>
    %shift_right_logical3A_70 = arith.shrui %bitcast_convert_type3A_64, %shift_right_logical3A_69 : vector<192x384xi32>
    %and3A_71 = arith.constant 1 : i32
    %and3A_72 = vector.broadcast %and3A_71 : i32 to vector<192x384xi32>
    %and3A_73 = arith.andi %shift_right_logical3A_70, %and3A_72 : vector<192x384xi32>
    %add3A_74 = arith.addi %add3A_67, %and3A_73 : vector<192x384xi32>
    %shift_right_logical3A_75 = arith.constant 16 : i32
    %shift_right_logical3A_76 = vector.broadcast %shift_right_logical3A_75 : i32 to vector<192x384xi32>
    %shift_right_logical3A_77 = arith.shrui %add3A_62, %shift_right_logical3A_76 : vector<192x384xi32>
    %and3A_78 = arith.constant -65536 : i32
    %and3A_79 = vector.broadcast %and3A_78 : i32 to vector<192x384xi32>
    %and3A_80 = arith.andi %add3A_74, %and3A_79 : vector<192x384xi32>
    %or3A = arith.ori %shift_right_logical3A_77, %and3A_80 : vector<192x384xi32>
    %swap3A = arith.constant 0 : index
    %swap3A_81 = arith.constant 0 : index
    %swap3A_82 = vector.load %arg6[%swap3A, %swap3A_81] : memref<192x384xi32, #tpu.memory_space<vmem>>, vector<192x384xi32>
    tpu.vector_store %arg6[%swap3A, %swap3A_81], %or3A {strides = array<i32>} : memref<192x384xi32, #tpu.memory_space<vmem>>, vector<192x384xi32>,
    return
  }
  func.func @transform_0(%arg0: i32) -> (i32, i32) {
    %c0_i32 = arith.constant 0 : i32
    %c0_i32_0 = arith.constant 0 : i32
    return %arg0, %c0_i32 : i32, i32
  }
  func.func @transform_1(%arg0: i32) -> (i32, i32, i32) {
    %c0_i32 = arith.constant 0 : i32
    %c0_i32_0 = arith.constant 0 : i32
    %c0_i32_1 = arith.constant 0 : i32
    return %arg0, %c0_i32, %c0_i32_0 : i32, i32, i32
  }
  func.func @transform_2(%arg0: i32) -> (i32, i32, i32) {
    %c0_i32 = arith.constant 0 : i32
    %c0_i32_0 = arith.constant 0 : i32
    %c0_i32_1 = arith.constant 0 : i32
    return %arg0, %c0_i32, %c0_i32_0 : i32, i32, i32
  }
  func.func @transform_3(%arg0: i32) -> (i32, i32, i32) {
    %c0_i32 = arith.constant 0 : i32
    %c0_i32_0 = arith.constant 0 : i32
    %c0_i32_1 = arith.constant 0 : i32
    return %arg0, %c0_i32, %c0_i32_0 : i32, i32, i32
  }
  func.func @transform_4(%arg0: i32) -> (i32, i32, i32) {
    %c0_i32 = arith.constant 0 : i32
    %c0_i32_0 = arith.constant 0 : i32
    %c0_i32_1 = arith.constant 0 : i32
    return %arg0, %c0_i32, %c0_i32_0 : i32, i32, i32
  }
  func.func @transform_5(%arg0: i32) -> (i32, i32) {
    %c0_i32 = arith.constant 0 : i32
    %c0_i32_0 = arith.constant 0 : i32
    return %arg0, %c0_i32 : i32, i32
  }
}

module attributes {stable_mosaic.version = 14 : i64} {
  func.func @_scale_body(%arg0: memref<2048x384xi32, #tpu.memory_space<vmem>>, %arg1: memref<2048x1xf32, #tpu.memory_space<vmem>>, %arg2: memref<2048x768xf32, #tpu.memory_space<vmem>>) attributes {dimension_semantics = [], scalar_prefetch = 0 : i64, scratch_operands = 0 : i64, tpu.core_type = #tpu.core_type<tc>} {
    %get3A = arith.constant 0 : index
    %get3A_0 = arith.constant 0 : index
    %get3A_1 = vector.load %arg1[%get3A, %get3A_0] : memref<2048x1xf32, #tpu.memory_space<vmem>>, vector<2048x1xf32>
    %get3A_2 = arith.constant 0 : index
    %get3A_3 = arith.constant 0 : index
    %get3A_4 = vector.load %arg0[%get3A_2, %get3A_3] : memref<2048x384xi32, #tpu.memory_space<vmem>>, vector<2048x384xi32>
    %shift_left3A = arith.constant 16 : i32
    %shift_left3A_5 = vector.broadcast %shift_left3A : i32 to vector<2048x384xi32>
    %shift_left3A_6 = arith.shli %get3A_4, %shift_left3A_5 : vector<2048x384xi32>
    %bitcast_convert_type3A = tpu.bitcast %shift_left3A_6 : vector<2048x384xi32> -> vector<2048x384xf32>
    %and3A = arith.constant -65536 : i32
    %and3A_7 = vector.broadcast %and3A : i32 to vector<2048x384xi32>
    %and3A_8 = arith.andi %get3A_4, %and3A_7 : vector<2048x384xi32>
    %bitcast_convert_type3A_9 = tpu.bitcast %and3A_8 : vector<2048x384xi32> -> vector<2048x384xf32>
    %gt3A = arith.constant 0.000000e+00 : f32
    %gt3A_10 = vector.broadcast %gt3A : f32 to vector<2048x1xf32>
    %gt3A_11 = arith.cmpf ogt, %get3A_1, %gt3A_10 : vector<2048x1xf32>
    %mul3A = vector.broadcast %get3A_1 : vector<2048x1xf32> to vector<2048x384xf32>
    %mul3A_12 = arith.mulf %bitcast_convert_type3A, %mul3A : vector<2048x384xf32>
    %jit3A = arith.constant 0.000000e+00 : f32
    %broadcast_in_dim3A = vector.shape_cast %gt3A_11 : vector<2048x1xi1> to vector<2048x1xi1>
    %broadcast_in_dim3A_13 = vector.broadcast %broadcast_in_dim3A : vector<2048x1xi1> to vector<2048x384xi1>
    %broadcast_in_dim3A_14 = vector.broadcast %jit3A : f32 to vector<2048x384xf32>
    %select_n3A = arith.select %broadcast_in_dim3A_13, %mul3A_12, %broadcast_in_dim3A_14 : vector<2048x384xi1>, vector<2048x384xf32>
    %swap3A = arith.constant 0 : index
    %swap3A_15 = arith.constant 0 : index
    %swap3A_16 = vector.load %arg2[%swap3A, %swap3A_15] : memref<2048x768xf32, #tpu.memory_space<vmem>>, vector<2048x384xf32>
    tpu.vector_store %arg2[%swap3A, %swap3A_15], %select_n3A {strides = array<i32>} : memref<2048x768xf32, #tpu.memory_space<vmem>>, vector<2048x384xf32>,
    %gt3A_17 = arith.constant 0.000000e+00 : f32
    %gt3A_18 = vector.broadcast %gt3A_17 : f32 to vector<2048x1xf32>
    %gt3A_19 = arith.cmpf ogt, %get3A_1, %gt3A_18 : vector<2048x1xf32>
    %mul3A_20 = vector.broadcast %get3A_1 : vector<2048x1xf32> to vector<2048x384xf32>
    %mul3A_21 = arith.mulf %bitcast_convert_type3A_9, %mul3A_20 : vector<2048x384xf32>
    %jit3A_22 = arith.constant 0.000000e+00 : f32
    %broadcast_in_dim3A_23 = vector.shape_cast %gt3A_19 : vector<2048x1xi1> to vector<2048x1xi1>
    %broadcast_in_dim3A_24 = vector.broadcast %broadcast_in_dim3A_23 : vector<2048x1xi1> to vector<2048x384xi1>
    %broadcast_in_dim3A_25 = vector.broadcast %jit3A_22 : f32 to vector<2048x384xf32>
    %select_n3A_26 = arith.select %broadcast_in_dim3A_24, %mul3A_21, %broadcast_in_dim3A_25 : vector<2048x384xi1>, vector<2048x384xf32>
    %swap3A_27 = arith.constant 0 : index
    %swap3A_28 = arith.constant 384 : index
    %swap3A_29 = vector.load %arg2[%swap3A_27, %swap3A_28] : memref<2048x768xf32, #tpu.memory_space<vmem>>, vector<2048x384xf32>
    tpu.vector_store %arg2[%swap3A_27, %swap3A_28], %select_n3A_26 {strides = array<i32>} : memref<2048x768xf32, #tpu.memory_space<vmem>>, vector<2048x384xf32>,
    return
  }
}

</mosaic_0001>

<sc_bundles>
// kernel: kernel.10.cloned.1.call-start
scs
__scs_entry_jumppad:
0x0: {  	(pc) =	sbr.rel $0x88, $3  }
0x1: {  	(tag) =	ssettag $0x0;
	lr =	simm.s32 $0x1  }
0x2: {  	[smem:$0x3F9B] =	sst lr;
	_ =	strace $0xD0000000  }
0x3: {  	_ = 	snop  }
0x4: {  	_ = 	snop  }
0x5: {  	_ = 	snop  }
0x6: {  	_ = 	snop  }
0x7: {  	_ = 	snop  }
__scs_overlays_trampoline_lowered:
0x8: {  	[smem:$0x3FAA] =	sst s0  }
0x9: {  	[smem:$0x3FAB] =	sst s1  }
0xa: {  	[smem:$0x3FAC] =	sst s2  }
0xb: {  	[smem:$0x3FAD] =	sst s3  }
0xc: {  	[smem:$0x3FAE] =	sst s4  }
0xd: {  	[smem:$0x3FAF] =	sst s5  }
0xe: {  	[smem:$0x3FB0] =	sst s6  }
0xf: {  	[smem:$0x3FB1] =	sst s7  }
0x10: {  	[smem:$0x3FB2] =	sst s8  }
0x11: {  	[smem:$0x3FB3] =	sst s9;
	s0 =	simm.s32 @!p0 $0x0  }
0x12: {  	s1 =	sld [smem:$0x3F99];
	s0 =	simm.s32 @p0 $0x1  }
0x13: {  	[smem:$0x3FB4] =	sst s0;
	s0 =	simm.s32 @!p1 $0x0  }
0x14: {  	s2 =	sld [smem:$0x3F98];
	s0 =	simm.s32 @p1 $0x1  }
0x15: {  	[smem:$0x3FB5] =	sst s0;
	s0 =	simm.s32 @!p2 $0x0  }
0x16: {  	s3 =	sld [smem:$0x3FDB];
	s0 =	simm.s32 @p2 $0x1  }
0x17: {  	s4 =	simm.s32 $0x1BF5;
	[smem:$0x3FB7] =	sst s0  }
0x18: {  	s0 =	sld [smem:$0x3F9A];
	_ =	swait.ge [sflag:s4], $0x0  }
0x19: {  	s7 =	sld [smem:$0x3F9B]  }
0x1a: {  	s8 =	sadd.s32 $0xFFFFE003, lr  }
0x1b: {  	s9 =	sadd.s32 $0xFFFFFEF7, lr;
	s5 =	simm.s32 $0xFFFFFFFF;
	p2 =	slt.u32 s8, $0xFFFFF086  }
0x1c: {  	p1 =	slt.u32 s9, $0xF7A;
	s5 =	simm.s32 @!p2 $0x0  }
0x1d: {  	s5 =	simm.s32 @p1 $0x1;
	p0 =	seq.s32 s7, s2  }
0x1e: {  	s7 =	smul.u32 @!p0 $0xF7A, s2;
	p2 =	seq.s32 @!p0 s5, $0x0  }
0x1f: {  	s9 =	smul.u32 $0xF7A, s1;
	s8 =	simm.s32 @!p0 $0x1BF5;
	p2 =	por !p2, p0  }
0x20: {  	[sflag:s8] =	ssyncset.s32 @!p0 $0xFFFFF086;
	s6 =	sadd.s32 @!p0 s3, s7;
	s7 =	simm.s32 @!p0 $0x108  }
0x21: {  	s3 =	sadd.s32 s3, s9;
	s6 =	sadd.s32 @!p0 $0x88, s6;
	s7 =	simm.s32 @p2 $0x1082  }
0x22: {  	[simem:s7], [sflag:s8] =	dma.local @!p0 [hbm:s6], $0xF7A  }
0x23: {  	s9 =	sor.u32 $0xD0000000, s2;
	s6 =	simm.s32 $0x108;
	_ =	swait.ge @!p0 [sflag:s8], $0x0  }
0x24: {  	s3 =	sadd.s32 $0x88, s3;
	s6 =	simm.s32 @!p1 $0x1082;
	[sflag:s4] =	ssyncset.s32 $0xFFFFF086  }
0x25: {  	[simem:s6], [sflag:s4] =	dma.local [hbm:s3], $0xF7A  }
0x26: {  	[smem:$0x3F9B] =	sst s1;
	(tag) =	ssettag s2;
	_ =	strace s9  }
0x27: {  	s1 =	sld [smem:$0x3FAB]  }
0x28: {  	s2 =	sld [smem:$0x3FAC]  }
0x29: {  	s4 =	sld [smem:$0x3FAE]  }
0x2a: {  	p0 =	seq.s32 s5, $0x0;
	s5 =	sld [smem:$0x3FAF]  }
0x2b: {  	s6 =	sld [smem:$0x3FB0]  }
0x2c: {  	s7 =	sld [smem:$0x3FB1]  }
0x2d: {  	s3 =	simm.s32 $0x108;
	s8 =	sld [smem:$0x3FB2]  }
0x2e: {  	s3 =	simm.s32 @!p0 $0x1082;
	s9 =	sld [smem:$0x3FB3]  }
0x2f: {  	lr =	sadd.s32 s0, s3;
	s0 =	sld [smem:$0x3FAA]  }
0x30: {  	s3 =	sld [smem:$0x3FAD]  }
0x31: {  	[smem:$0x3FB6] =	sst s10  }
0x32: {  	s10 =	sld [smem:$0x3FB4];
	_ =	sdelay $0x3  }
0x33: {  	p0 =	seq.s32 s10, $0x1;
	s10 =	sld [smem:$0x3FB6];
	_ =	sdelay $0x3  }
0x34: {  	[smem:$0x3FB6] =	sst s10  }
0x35: {  	s10 =	sld [smem:$0x3FB5];
	_ =	sdelay $0x3  }
0x36: {  	p1 =	seq.s32 s10, $0x1;
	s10 =	sld [smem:$0x3FB6];
	_ =	sdelay $0x3  }
0x37: {  	[smem:$0x3FB6] =	sst s10  }
0x38: {  	s10 =	sld [smem:$0x3FB7]  }
0x39: {  	_ = 	snop;
	(pc) =	sbr.ind lr, $3  }
0x3a: {  	_ = 	snop  }
0x3b: {  	_ = 	snop  }
0x3c: {  	p2 =	seq.s32 s10, $0x1;
	s10 =	sld [smem:$0x3FB6]  }
0x3d: {  	_ =	shalt  }
0x3e: {  	_ =	shalt  }
0x3f: {  	_ =	shalt  }
0x40: {  	_ =	shalt  }
0x41: {  	_ =	shalt  }
0x42: {  	_ =	shalt  }
0x43: {  	_ =	shalt  }
0x44: {  	_ =	shalt  }
0x45: {  	_ =	shalt  }
0x46: {  	_ =	shalt  }
0x47: {  	_ =	shalt  }
0x48: {  	_ =	shalt  }
0x49: {  	_ =	shalt  }
0x4a: {  	_ =	shalt  }
0x4b: {  	_ =	shalt  }
0x4c: {  	_ =	shalt  }
0x4d: {  	_ =	shalt  }
0x4e: {  	_ =	shalt  }
0x4f: {  	_ =	shalt  }
0x50: {  	_ =	shalt  }
0x51: {  	_ =	shalt  }
0x52: {  	_ =	shalt  }
0x53: {  	_ =	shalt  }
0x54: {  	_ =	shalt  }
0x55: {  	_ =	shalt  }
0x56: {  	_ =	shalt  }
0x57: {  	_ =	shalt  }
0x58: {  	_ =	shalt  }
0x59: {  	_ =	shalt  }
0x5a: {  	_ =	shalt  }
0x5b: {  	_ =	shalt  }
0x5c: {  	_ =	shalt  }
0x5d: {  	_ =	shalt  }
0x5e: {  	_ =	shalt  }
0x5f: {  	_ =	shalt  }
0x60: {  	_ =	shalt  }
0x61: {  	_ =	shalt  }
0x62: {  	_ =	shalt  }
0x63: {  	_ =	shalt  }
0x64: {  	_ =	shalt  }
0x65: {  	_ =	shalt  }
0x66: {  	_ =	shalt  }
0x67: {  	_ =	shalt  }
0x68: {  	_ =	shalt  }
0x69: {  	_ =	shalt  }
0x6a: {  	_ =	shalt  }
0x6b: {  	_ =	shalt  }
0x6c: {  	_ =	shalt  }
0x6d: {  	_ =	shalt  }
0x6e: {  	_ =	shalt  }
0x6f: {  	_ =	shalt  }
0x70: {  	_ =	shalt  }
0x71: {  	_ =	shalt  }
0x72: {  	_ =	shalt  }
0x73: {  	_ =	shalt  }
0x74: {  	_ =	shalt  }
0x75: {  	_ =	shalt  }
0x76: {  	_ =	shalt  }
0x77: {  	_ =	shalt  }
0x78: {  	_ =	shalt  }
0x79: {  	_ =	shalt  }
0x7a: {  	_ =	shalt  }
0x7b: {  	_ =	shalt  }
0x7c: {  	_ =	shalt  }
0x7d: {  	_ =	shalt  }
0x7e: {  	_ =	shalt  }
0x7f: {  	_ =	shalt  }
0x80: {  	_ =	shalt  }
0x81: {  	_ =	shalt  }
0x82: {  	_ =	shalt  }
0x83: {  	_ =	shalt  }
0x84: {  	_ =	shalt  }
0x85: {  	_ =	shalt  }
0x86: {  	_ =	shalt  }
0x87: {  	_ =	shalt  }
.Lfunc_end0:
.L_simem_size_0:
called_computation.1_lowered:
.L_overlay_start_0:
0x88: {  	s2 =	sld [smem:$0x3FD9]  }
0x89: {  	s3 =	sld [smem:$0x3FFE];
	_ =	sdelay $0x1  }
0x8a: {  	s1 =	srdreg.scid  }
0x8b: {  	s0 =	sand.u32 $0x1, s1  }
0x8c: {  	s17 =	sshll.u32 s0, $0xA;
	s2 =	sadd.s32 s3, s2  }
0x8d: {  	s2 =	sadd.s32 s2, s17  }
0x8e: {  	[smem:$0x3FC2] =	sst s2  }
0x8f: {  	_ = 	snop  }
0x90: {  	s2 =	sld [smem:$0x3FD0];
	(tm) =	ssettm $0x1  }
0x91: {  	s18 =	sld [smem:$0x3FFB];
	_ =	sdelay $0x3  }
0x92: {  	_ =	strace s18  }
0x93: {  	s3 =	sld [smem:$0x3FFC];
	_ =	sdelay $0x3  }
0x94: {  	_ =	strace s3  }
0x95: {  	s3 =	sld [smem:$0x3FFD];
	_ =	sdelay $0x3  }
0x96: {  	_ =	strace s3  }
0x97: {  	_ =	strace $0x8FFFFFFF  }
0x98: {  	s19 =	sld [smem:$0x3FDB];
	_ =	sdelay $0x1  }
0x99: {  	s4 =	simm.s32 $_scs_section_size  }
0x9a: {  	s5 =	simm.s32 $_size__tile_overlayer_lowered;
	s6 =	simm.s32 $_tile_overlayer_lowered  }
0x9b: {  	s22 =	simm.s32 $0x1BFF;
	s21 =	sshll.u32 s6, $0x1;
	s3 =	sadd.s32 s4, s19  }
0x9c: {  	s7 =	simm.s32 $0x0;
	s20 =	sshll.u32 s5, $0x1;
	s5 =	sadd.s32 s21, s3  }
0x9d: {  	[timem:s7], [sflag:s22] =	dma.local [hbm:s5], s20  }
0x9e: {  	_ =	swait.ge [sflag:s22], s20  }
0x9f: {  	s4 =	ssub.s32 $0x0, s20;
	[sflag:s22] =	ssyncset.done $0x0  }
0xa0: {  	[sflag:s22] =	ssyncadd.s32 s4;
	_ =	sdelay $0x1  }
0xa1: {  	s23 =	simm.s32 $0x1B8B  }
0xa2: {  	_ =	swait.ge [sflag:s23], $0x1  }
0xa3: {  	[sflag:s23] =	ssyncset.done $0x0  }
0xa4: {  	s25 =	simm.s32 $0x1B8E;
	s24 =	sld [smem:$0x3FFE];
	[sflag:s23] =	ssyncadd.s32 $0xFFFFFFFF  }
0xa5: {  	s26 =	simm.s32 $execute0_lowered;
	[smem:$0x3FD2] =	sst s25  }
0xa6: {  	s5 =	sshll.u32 s26, $0x1;
	_ =	strace $0x80000049;
	[dreg:$0x1] =	wrdreg $0xFFFFFFFF  }
0xa7: {  	s28 =	simm.s32 $_size_execute0_lowered;
	s3 =	sadd.s32 s3, s5;
	[dreg:$0x0] =	wrdreg $0x0  }
0xa8: {  	s5 =	sshll.u32 s28, $0x1;
	[dreg:$0x2] =	wrdreg s3  }
0xa9: {  	[dreg:$0x3] =	wrdreg s5  }
0xaa: {  	[dreg:$0x4] =	wrdreg $0xC0  }
0xab: {  	_ =	task [dreg:s7], $0x5FFFF  }
0xac: {  	[dreg:$0x1] =	wrdreg $0xFFFFFFFF  }
0xad: {  	[dreg:$0x0] =	wrdreg $0x60  }
0xae: {  	[dreg:$0x2] =	wrdreg s24  }
0xaf: {  	[dreg:$0x3] =	wrdreg s2  }
0xb0: {  	[dreg:$0x4] =	wrdreg $0x9  }
0xb1: {  	_ =	task.clear_ibuf [dreg:s7], $0x5FFFF;
	_ =	strace $0x90000049  }
0xb2: {  	s29 =	simm.s32 $0x9;
	_ =	strace $0x8000004B  }
0xb3: {  	_ =	swait.ge [sflag:s29], $0x1  }
0xb4: {  	[sflag:s29] =	ssyncadd.s32 $0xFFFFFFFF  }
0xb5: {  	_ =	strace $0x9000004B  }
0xb6: {  	_ =	sfence  }
0xb7: {  	s30 =	sld [smem:$0x0];
	_ =	sdelay $0x2  }
0xb8: {  	s31 =	sshll.u32 s1, $0xD;
	s1 =	sshrl.u32 s1, $0x2  }
0xb9: {  	s3 =	sand.u32 $0x4000, s31;
	s1 =	sadd.s32 s1, s30  }
0xba: {  	s0 =	sor.u32 s3, s0;
	s1 =	sshll.u32 s1, $0x11  }
0xbb: {  	s0 =	sor.u32 s1, s0  }
0xbc: {  	s0 =	sadd.s32 $0x8F2B, s0  }
0xbd: {  	[sflag:s0] =	ssyncadd.remote.s32 $0x1  }
0xbe: {  	_ =	sfence.sel $0xFFFF  }
0xbf: {  	[dreg:$0x0] =	wrdreg $0xFFFFFFFF;
	(pc) =	sbr.abs _section_cstart, $3  }
0xc0: {  	[dreg:$0x1] =	wrdreg $0xFFFFFFFF  }
0xc1: {  	_ =	task.clear_ibuf [dreg:s7], $0x2FFFF;
	_ =	strace $0x9FFFFFFF  }
0xc2: {  	(tm) =	ssettm $0x7FFFFFFF  }
0xc3: {  	_ =	shalt  }
tec
execute0_lowered:
.L_overlay_start_1:
0x0: {  	(tag) =	ssettag $0x1  }
0x1: {  	s5 =	rddreg [dreg:$0x0]  }
0x2: {  	s6 =	rddreg [dreg:$0x1]  }
0x3: {  	s0 =	rddreg [dreg:$0x2];
	s3 =	srdreg.scid  }
0x4: {  	s2 =	simm.s32 $0x0;
	s1 =	stileid.u32;
	s11 =	simm.s32 $0xC80  }
0x5: {  	s12 =	simm.s32 $0x1480;
	s13 =	simm.s32 $0x1880;
	s14 =	simm.s32 $0x2080  }
0x6: {  	s15 =	simm.s32 $0x2480;
	s16 =	simm.s32 $0x2C80;
	s17 =	simm.s32 $0x3080  }
0x7: {  	s18 =	simm.s32 $0x3880;
	s19 =	simm.s32 $0x3C80;
	s20 =	simm.s32 $0x4480  }
0x8: {  	s21 =	simm.s32 $0x4880;
	s22 =	simm.s32 $0x5080;
	s23 =	simm.s32 $0x5480  }
0x9: {  	s24 =	simm.s32 $0x5C80;
	s25 =	simm.s32 $0x1;
	s3 =	sand.u32 $0x1, s3  }
0xa: {  	[smem:$0x7FF] =	sst s2;
	s4 =	sshll.u32 s1, $0x4;
	s7 =	sshll.u32 s3, $0x3  }
0xb: {  	_ =	strace $0x8000004A;
	s31 =	ssub.s32 $0x2, s3;
	s4 =	sor.u32 s7, s4  }
0xc: {  	s3 =	sadd.s32 $0x9000, s5;
	s9 =	sshrl.u32 s31, $0x1;
	s8 =	sadd.s32 s4, s5  }
0xd: {  	v2 =	vlaneseq.u32;
	s10 =	smul.u32 $0x180, s4;
	s7 =	ssub.s32 s31, s9;
	s5 =	sadd.s32 $0x9100, s5  }
0xe: {  	vm0 =	vmmov $0xffff;
	vm1 =	vmmov $0xff;
	v1 =	vshrl.u32 v2, $0x3;
	s9 =	simm.s32 $0x80;
	s4 =	sadd.s32 $0x99400, s8;
	s7 =	smax.u32 s7, $0x1  }
0xf: {  	v0 =	vand.u32 $0x7, v2;
	v2 =	vor.u32 $0x8, v2;
	v1 =	vmul.u32 $0x8, v1;
	s8 =	simm.s32 $0x2;
	s6 =	sadd.s32 s6, s10;
	s10 =	simm.s32 $0x880  }
.LBB2_1:
0x10: {  	[tilespmem:s2], [sflag:$0x2] =	stream.linear.gather [hbm4b:s4+s2], $0x40, $0x38;
	[tilespmem:$0x6080] =	vst v63  }
0x11: {  	_ =	swait.ge [sflag:s8], $0x40  }
0x12: {  	[sflag:s8] =	ssyncset.done $0x0  }
0x13: {  	[sflag:s8] =	ssyncadd.s32 $0xFFFFFFC0  }
0x14: {  	v3 =	vld [tilespmem:$0x0];
	_ =	sdelay $0x4  }
0x15: {  	v4 =	vshrl.u32 v3, $0x3  }
0x16: {  	v4 =	vmul.u32 $0x18, v4  }
0x17: {  	v3 =	vand.u32 $0x7, v3  }
0x18: {  	v3 =	vor.u32 v3, v4  }
0x19: {  	v4 =	vperm.xlane v3, v0;
	_ =	sdelay $0x1  }
0x1a: {  	v4 =	vadd.s32 v1, v4;
	_ =	sdelay $0x1  }
0x1b: {  	v3 =	vperm.xlane v3, v2;
	_ =	sdelay $0x1  }
0x1c: {  	v3 =	vadd.s32 v1, v3  }
0x1d: {  	[tilespmem:s9], [sflag:$0x1] =	stream.indirect_vreg.gather [hbm4b:s3+s2], $0x80, v4, vm0, $0xb8;
	[tilespmem:$0x6080] =	vst v63  }
0x1e: {  	_ = 	snop  }
0x1f: {  	[tilespmem:s10], [sflag:$0x1] =	stream.indirect_vreg.gather [hbm4b:s5+s2], $0x80, v4, vm1, $0xb8;
	[tilespmem:$0x6080] =	vst v63  }
0x20: {  	_ = 	snop  }
0x21: {  	[tilespmem:s11], [sflag:$0x1] =	stream.indirect_vreg.gather [hbm4b:s3+s2], $0x80, v3, vm0, $0xb8;
	[tilespmem:$0x6080] =	vst v63  }
0x22: {  	_ = 	snop  }
0x23: {  	[tilespmem:s12], [sflag:$0x1] =	stream.indirect_vreg.gather [hbm4b:s5+s2], $0x80, v3, vm1, $0xb8;
	[tilespmem:$0x6080] =	vst v63  }
0x24: {  	v3 =	vld [tilespmem:$0x10];
	_ =	sdelay $0x4  }
0x25: {  	v61 =	vshrl.u32 v3, $0x3  }
0x26: {  	v4 =	vmul.u32 $0x18, v61  }
0x27: {  	v3 =	vand.u32 $0x7, v3  }
0x28: {  	v3 =	vor.u32 v3, v4  }
0x29: {  	v4 =	vperm.xlane v3, v0;
	_ =	sdelay $0x1  }
0x2a: {  	v4 =	vadd.s32 v1, v4;
	_ =	sdelay $0x1  }
0x2b: {  	v3 =	vperm.xlane v3, v2;
	_ =	sdelay $0x1  }
0x2c: {  	v3 =	vadd.s32 v1, v3  }
0x2d: {  	[tilespmem:s13], [sflag:$0x1] =	stream.indirect_vreg.gather [hbm4b:s3+s2], $0x80, v4, vm0, $0xb8;
	[tilespmem:$0x6080] =	vst v63  }
0x2e: {  	_ = 	snop  }
0x2f: {  	[tilespmem:s14], [sflag:$0x1] =	stream.indirect_vreg.gather [hbm4b:s5+s2], $0x80, v4, vm1, $0xb8;
	[tilespmem:$0x6080] =	vst v63  }
0x30: {  	_ = 	snop  }
0x31: {  	[tilespmem:s15], [sflag:$0x1] =	stream.indirect_vreg.gather [hbm4b:s3+s2], $0x80, v3, vm0, $0xb8;
	[tilespmem:$0x6080] =	vst v63  }
0x32: {  	_ = 	snop  }
0x33: {  	[tilespmem:s16], [sflag:$0x1] =	stream.indirect_vreg.gather [hbm4b:s5+s2], $0x80, v3, vm1, $0xb8;
	[tilespmem:$0x6080] =	vst v63  }
0x34: {  	v3 =	vld [tilespmem:$0x20];
	_ =	sdelay $0x4  }
0x35: {  	v62 =	vshrl.u32 v3, $0x3  }
0x36: {  	v4 =	vmul.u32 $0x18, v62  }
0x37: {  	v3 =	vand.u32 $0x7, v3  }
0x38: {  	v3 =	vor.u32 v3, v4  }
0x39: {  	v4 =	vperm.xlane v3, v0;
	_ =	sdelay $0x1  }
0x3a: {  	v4 =	vadd.s32 v1, v4;
	_ =	sdelay $0x1  }
0x3b: {  	v3 =	vperm.xlane v3, v2;
	_ =	sdelay $0x1  }
0x3c: {  	v3 =	vadd.s32 v1, v3  }
0x3d: {  	[tilespmem:s17], [sflag:$0x1] =	stream.indirect_vreg.gather [hbm4b:s3+s2], $0x80, v4, vm0, $0xb8;
	[tilespmem:$0x6080] =	vst v63  }
0x3e: {  	_ = 	snop  }
0x3f: {  	[tilespmem:s18], [sflag:$0x1] =	stream.indirect_vreg.gather [hbm4b:s5+s2], $0x80, v4, vm1, $0xb8;
	[tilespmem:$0x6080] =	vst v63  }
0x40: {  	_ = 	snop  }
0x41: {  	[tilespmem:s19], [sflag:$0x1] =	stream.indirect_vreg.gather [hbm4b:s3+s2], $0x80, v3, vm0, $0xb8;
	[tilespmem:$0x6080] =	vst v63  }
0x42: {  	_ = 	snop  }
0x43: {  	[tilespmem:s20], [sflag:$0x1] =	stream.indirect_vreg.gather [hbm4b:s5+s2], $0x80, v3, vm1, $0xb8;
	[tilespmem:$0x6080] =	vst v63  }
0x44: {  	v3 =	vld [tilespmem:$0x30];
	_ =	sdelay $0x4  }
0x45: {  	v63 =	vshrl.u32 v3, $0x3  }
0x46: {  	v4 =	vmul.u32 $0x18, v63  }
0x47: {  	v3 =	vand.u32 $0x7, v3  }
0x48: {  	v3 =	vor.u32 v3, v4  }
0x49: {  	v4 =	vperm.xlane v3, v0;
	_ =	sdelay $0x1  }
0x4a: {  	v4 =	vadd.s32 v1, v4;
	_ =	sdelay $0x1  }
0x4b: {  	v3 =	vperm.xlane v3, v2;
	_ =	sdelay $0x1  }
0x4c: {  	v3 =	vadd.s32 v1, v3  }
0x4d: {  	[tilespmem:s21], [sflag:$0x1] =	stream.indirect_vreg.gather [hbm4b:s3+s2], $0x80, v4, vm0, $0xb8;
	[tilespmem:$0x6080] =	vst v63  }
0x4e: {  	_ = 	snop  }
0x4f: {  	[tilespmem:s22], [sflag:$0x1] =	stream.indirect_vreg.gather [hbm4b:s5+s2], $0x80, v4, vm1, $0xb8;
	[tilespmem:$0x6080] =	vst v63  }
0x50: {  	_ = 	snop  }
0x51: {  	[tilespmem:s23], [sflag:$0x1] =	stream.indirect_vreg.gather [hbm4b:s3+s2], $0x80, v3, vm0, $0xb8;
	[tilespmem:$0x6080] =	vst v63  }
0x52: {  	_ = 	snop  }
0x53: {  	[tilespmem:s24], [sflag:$0x1] =	stream.indirect_vreg.gather [hbm4b:s5+s2], $0x80, v3, vm1, $0xb8;
	[tilespmem:$0x6080] =	vst v63  }
0x54: {  	_ =	swait.ge [sflag:s25], $0x6000  }
0x55: {  	p0 =	sne.s32 s7, $0x1;
	[sflag:s25] =	ssyncset.done $0x0  }
.Ltmp0:
0x56: {  	[sflag:s25] =	ssyncadd.s32 $0xFFFFA000;
	(pc) =	sbr.rel @p0 .LBB2_1-.Ltmp0, $4  }
0x57: {  	[hbm4b:s6+s2] =	stream.linear.scatter [tilespmem:s9], [sflag:$0x2], $0x6000, $0x38;
	[tilespmem:$0x6080] =	vst v63  }
0x58: {  	_ =	swait.ge [sflag:s8], $0x6000  }
0x59: {  	[sflag:s8] =	ssyncset.done $0x0  }
0x5a: {  	s7 =	sadd.s32 $0xFFFFFFFF, s7;
	[sflag:s8] =	ssyncadd.s32 $0xFFFFA000  }
0x5b: {  	_ =	sfence.sel $0x180000  }
0x5c: {  	[bflag:$0x0] =	sbarrier.arrive $0xFFFF  }
0x5d: {  	p0 =	sne.s32 s1, $0x0;
	_ =	strace $0x9000004A  }
0x5e: {  	s0 =	sadd.s32 @!p0 $0x100000, s0;
	[bflag:$0x2] =	sbarrier.arrive $0xFFFF  }
0x5f: {  	[sflag:s0] =	ssyncadd.tile.s32 @!p0 $0x1;
	_ =	shalt  }
.Lfunc_end2:
_tile_overlayer_lowered:
.L_overlay_start_2:
0x60: {  	(tag) =	ssettag $0x2  }
0x61: {  	s0 =	rddreg [dreg:$0x0];
	s2 =	stileid.u32  }
0x62: {  	s1 =	rddreg [dreg:$0x1];
	p0 =	sne.s32 s2, $0x0  }
0x63: {  	s3 =	rddreg [dreg:$0x2];
	[bflag:$0x3] =	sbarrier.arrive $0xFFFF;
	s2 =	simm.s32 @!p0 $0x1C02  }
0x64: {  	[timem:s3], [sflag:s2] =	dma.local @!p0 [hbm:s0], s1  }
0x65: {  	s0 =	simm.s32 @!p0 $0x2  }
0x66: {  	_ =	swait.ge @!p0 [sflag:s0], s1  }
0x67: {  	s1 =	ssub.s32 @!p0 $0x0, s1;
	[sflag:s0] =	ssyncset.done @!p0 $0x0  }
0x68: {  	[sflag:s0] =	ssyncadd.s32 @!p0 s1  }
0x69: {  	[bflag:$0x3] =	sbarrier.arrive $0xFFFF  }
0x6a: {  	_ =	shalt  }

// kernel: kernel.7.cloned.1.call-start
scs
__scs_entry_jumppad:
0x0: {  	(pc) =	sbr.rel $0x88, $3  }
0x1: {  	(tag) =	ssettag $0x0;
	lr =	simm.s32 $0x1  }
0x2: {  	[smem:$0x3F9B] =	sst lr;
	_ =	strace $0xD0000000  }
0x3: {  	_ = 	snop  }
0x4: {  	_ = 	snop  }
0x5: {  	_ = 	snop  }
0x6: {  	_ = 	snop  }
0x7: {  	_ = 	snop  }
__scs_overlays_trampoline_lowered:
0x8: {  	[smem:$0x3FAA] =	sst s0  }
0x9: {  	[smem:$0x3FAB] =	sst s1  }
0xa: {  	[smem:$0x3FAC] =	sst s2  }
0xb: {  	[smem:$0x3FAD] =	sst s3  }
0xc: {  	[smem:$0x3FAE] =	sst s4  }
0xd: {  	[smem:$0x3FAF] =	sst s5  }
0xe: {  	[smem:$0x3FB0] =	sst s6  }
0xf: {  	[smem:$0x3FB1] =	sst s7  }
0x10: {  	[smem:$0x3FB2] =	sst s8  }
0x11: {  	[smem:$0x3FB3] =	sst s9;
	s0 =	simm.s32 @!p0 $0x0  }
0x12: {  	s1 =	sld [smem:$0x3F99];
	s0 =	simm.s32 @p0 $0x1  }
0x13: {  	[smem:$0x3FB4] =	sst s0;
	s0 =	simm.s32 @!p1 $0x0  }
0x14: {  	s2 =	sld [smem:$0x3F98];
	s0 =	simm.s32 @p1 $0x1  }
0x15: {  	[smem:$0x3FB5] =	sst s0;
	s0 =	simm.s32 @!p2 $0x0  }
0x16: {  	s3 =	sld [smem:$0x3FDB];
	s0 =	simm.s32 @p2 $0x1  }
0x17: {  	s4 =	simm.s32 $0x1BF5;
	[smem:$0x3FB7] =	sst s0  }
0x18: {  	s0 =	sld [smem:$0x3F9A];
	_ =	swait.ge [sflag:s4], $0x0  }
0x19: {  	s7 =	sld [smem:$0x3F9B]  }
0x1a: {  	s8 =	sadd.s32 $0xFFFFE003, lr  }
0x1b: {  	s9 =	sadd.s32 $0xFFFFFEF7, lr;
	s5 =	simm.s32 $0xFFFFFFFF;
	p2 =	slt.u32 s8, $0xFFFFF086  }
0x1c: {  	p1 =	slt.u32 s9, $0xF7A;
	s5 =	simm.s32 @!p2 $0x0  }
0x1d: {  	s5 =	simm.s32 @p1 $0x1;
	p0 =	seq.s32 s7, s2  }
0x1e: {  	s7 =	smul.u32 @!p0 $0xF7A, s2;
	p2 =	seq.s32 @!p0 s5, $0x0  }
0x1f: {  	s9 =	smul.u32 $0xF7A, s1;
	s8 =	simm.s32 @!p0 $0x1BF5;
	p2 =	por !p2, p0  }
0x20: {  	[sflag:s8] =	ssyncset.s32 @!p0 $0xFFFFF086;
	s6 =	sadd.s32 @!p0 s3, s7;
	s7 =	simm.s32 @!p0 $0x108  }
0x21: {  	s3 =	sadd.s32 s3, s9;
	s6 =	sadd.s32 @!p0 $0x88, s6;
	s7 =	simm.s32 @p2 $0x1082  }
0x22: {  	[simem:s7], [sflag:s8] =	dma.local @!p0 [hbm:s6], $0xF7A  }
0x23: {  	s9 =	sor.u32 $0xD0000000, s2;
	s6 =	simm.s32 $0x108;
	_ =	swait.ge @!p0 [sflag:s8], $0x0  }
0x24: {  	s3 =	sadd.s32 $0x88, s3;
	s6 =	simm.s32 @!p1 $0x1082;
	[sflag:s4] =	ssyncset.s32 $0xFFFFF086  }
0x25: {  	[simem:s6], [sflag:s4] =	dma.local [hbm:s3], $0xF7A  }
0x26: {  	[smem:$0x3F9B] =	sst s1;
	(tag) =	ssettag s2;
	_ =	strace s9  }
0x27: {  	s1 =	sld [smem:$0x3FAB]  }
0x28: {  	s2 =	sld [smem:$0x3FAC]  }
0x29: {  	s4 =	sld [smem:$0x3FAE]  }
0x2a: {  	p0 =	seq.s32 s5, $0x0;
	s5 =	sld [smem:$0x3FAF]  }
0x2b: {  	s6 =	sld [smem:$0x3FB0]  }
0x2c: {  	s7 =	sld [smem:$0x3FB1]  }
0x2d: {  	s3 =	simm.s32 $0x108;
	s8 =	sld [smem:$0x3FB2]  }
0x2e: {  	s3 =	simm.s32 @!p0 $0x1082;
	s9 =	sld [smem:$0x3FB3]  }
0x2f: {  	lr =	sadd.s32 s0, s3;
	s0 =	sld [smem:$0x3FAA]  }
0x30: {  	s3 =	sld [smem:$0x3FAD]  }
0x31: {  	[smem:$0x3FB6] =	sst s10  }
0x32: {  	s10 =	sld [smem:$0x3FB4];
	_ =	sdelay $0x3  }
0x33: {  	p0 =	seq.s32 s10, $0x1;
	s10 =	sld [smem:$0x3FB6];
	_ =	sdelay $0x3  }
0x34: {  	[smem:$0x3FB6] =	sst s10  }
0x35: {  	s10 =	sld [smem:$0x3FB5];
	_ =	sdelay $0x3  }
0x36: {  	p1 =	seq.s32 s10, $0x1;
	s10 =	sld [smem:$0x3FB6];
	_ =	sdelay $0x3  }
0x37: {  	[smem:$0x3FB6] =	sst s10  }
0x38: {  	s10 =	sld [smem:$0x3FB7]  }
0x39: {  	_ = 	snop;
	(pc) =	sbr.ind lr, $3  }
0x3a: {  	_ = 	snop  }
0x3b: {  	_ = 	snop  }
0x3c: {  	p2 =	seq.s32 s10, $0x1;
	s10 =	sld [smem:$0x3FB6]  }
0x3d: {  	_ =	shalt  }
0x3e: {  	_ =	shalt  }
0x3f: {  	_ =	shalt  }
0x40: {  	_ =	shalt  }
0x41: {  	_ =	shalt  }
0x42: {  	_ =	shalt  }
0x43: {  	_ =	shalt  }
0x44: {  	_ =	shalt  }
0x45: {  	_ =	shalt  }
0x46: {  	_ =	shalt  }
0x47: {  	_ =	shalt  }
0x48: {  	_ =	shalt  }
0x49: {  	_ =	shalt  }
0x4a: {  	_ =	shalt  }
0x4b: {  	_ =	shalt  }
0x4c: {  	_ =	shalt  }
0x4d: {  	_ =	shalt  }
0x4e: {  	_ =	shalt  }
0x4f: {  	_ =	shalt  }
0x50: {  	_ =	shalt  }
0x51: {  	_ =	shalt  }
0x52: {  	_ =	shalt  }
0x53: {  	_ =	shalt  }
0x54: {  	_ =	shalt  }
0x55: {  	_ =	shalt  }
0x56: {  	_ =	shalt  }
0x57: {  	_ =	shalt  }
0x58: {  	_ =	shalt  }
0x59: {  	_ =	shalt  }
0x5a: {  	_ =	shalt  }
0x5b: {  	_ =	shalt  }
0x5c: {  	_ =	shalt  }
0x5d: {  	_ =	shalt  }
0x5e: {  	_ =	shalt  }
0x5f: {  	_ =	shalt  }
0x60: {  	_ =	shalt  }
0x61: {  	_ =	shalt  }
0x62: {  	_ =	shalt  }
0x63: {  	_ =	shalt  }
0x64: {  	_ =	shalt  }
0x65: {  	_ =	shalt  }
0x66: {  	_ =	shalt  }
0x67: {  	_ =	shalt  }
0x68: {  	_ =	shalt  }
0x69: {  	_ =	shalt  }
0x6a: {  	_ =	shalt  }
0x6b: {  	_ =	shalt  }
0x6c: {  	_ =	shalt  }
0x6d: {  	_ =	shalt  }
0x6e: {  	_ =	shalt  }
0x6f: {  	_ =	shalt  }
0x70: {  	_ =	shalt  }
0x71: {  	_ =	shalt  }
0x72: {  	_ =	shalt  }
0x73: {  	_ =	shalt  }
0x74: {  	_ =	shalt  }
0x75: {  	_ =	shalt  }
0x76: {  	_ =	shalt  }
0x77: {  	_ =	shalt  }
0x78: {  	_ =	shalt  }
0x79: {  	_ =	shalt  }
0x7a: {  	_ =	shalt  }
0x7b: {  	_ =	shalt  }
0x7c: {  	_ =	shalt  }
0x7d: {  	_ =	shalt  }
0x7e: {  	_ =	shalt  }
0x7f: {  	_ =	shalt  }
0x80: {  	_ =	shalt  }
0x81: {  	_ =	shalt  }
0x82: {  	_ =	shalt  }
0x83: {  	_ =	shalt  }
0x84: {  	_ =	shalt  }
0x85: {  	_ =	shalt  }
0x86: {  	_ =	shalt  }
0x87: {  	_ =	shalt  }
.Lfunc_end0:
.L_simem_size_0:
called_computation_lowered:
.L_overlay_start_0:
0x88: {  	s2 =	sld [smem:$0x3FD9]  }
0x89: {  	s3 =	sld [smem:$0x3FFE];
	_ =	sdelay $0x1  }
0x8a: {  	s1 =	srdreg.scid  }
0x8b: {  	s0 =	sand.u32 $0x1, s1  }
0x8c: {  	s17 =	sshll.u32 s0, $0xA;
	s2 =	sadd.s32 s3, s2  }
0x8d: {  	s2 =	sadd.s32 s2, s17  }
0x8e: {  	[smem:$0x3FC2] =	sst s2  }
0x8f: {  	_ = 	snop  }
0x90: {  	s2 =	sld [smem:$0x3FD0];
	(tm) =	ssettm $0x1  }
0x91: {  	s18 =	sld [smem:$0x3FFB];
	_ =	sdelay $0x3  }
0x92: {  	_ =	strace s18  }
0x93: {  	s3 =	sld [smem:$0x3FFC];
	_ =	sdelay $0x3  }
0x94: {  	_ =	strace s3  }
0x95: {  	s3 =	sld [smem:$0x3FFD];
	_ =	sdelay $0x3  }
0x96: {  	_ =	strace s3  }
0x97: {  	_ =	strace $0x8FFFFFFF  }
0x98: {  	s19 =	sld [smem:$0x3FDB];
	_ =	sdelay $0x1  }
0x99: {  	s4 =	simm.s32 $_scs_section_size  }
0x9a: {  	s5 =	simm.s32 $_size__tile_overlayer_lowered;
	s6 =	simm.s32 $_tile_overlayer_lowered  }
0x9b: {  	s22 =	simm.s32 $0x1BFF;
	s21 =	sshll.u32 s6, $0x1;
	s3 =	sadd.s32 s4, s19  }
0x9c: {  	s7 =	simm.s32 $0x0;
	s20 =	sshll.u32 s5, $0x1;
	s5 =	sadd.s32 s21, s3  }
0x9d: {  	[timem:s7], [sflag:s22] =	dma.local [hbm:s5], s20  }
0x9e: {  	_ =	swait.ge [sflag:s22], s20  }
0x9f: {  	s4 =	ssub.s32 $0x0, s20;
	[sflag:s22] =	ssyncset.done $0x0  }
0xa0: {  	[sflag:s22] =	ssyncadd.s32 s4;
	_ =	sdelay $0x1  }
0xa1: {  	s23 =	simm.s32 $0x1B8B  }
0xa2: {  	_ =	swait.ge [sflag:s23], $0x1  }
0xa3: {  	[sflag:s23] =	ssyncset.done $0x0  }
0xa4: {  	s25 =	simm.s32 $0x1B8E;
	s24 =	sld [smem:$0x3FFE];
	[sflag:s23] =	ssyncadd.s32 $0xFFFFFFFF  }
0xa5: {  	s26 =	simm.s32 $execute0_lowered;
	[smem:$0x3FD2] =	sst s25  }
0xa6: {  	s5 =	sshll.u32 s26, $0x1;
	_ =	strace $0x80000046;
	[dreg:$0x1] =	wrdreg $0xFFFFFFFF  }
0xa7: {  	s28 =	simm.s32 $_size_execute0_lowered;
	s3 =	sadd.s32 s3, s5;
	[dreg:$0x0] =	wrdreg $0x0  }
0xa8: {  	s5 =	sshll.u32 s28, $0x1;
	[dreg:$0x2] =	wrdreg s3  }
0xa9: {  	[dreg:$0x3] =	wrdreg s5  }
0xaa: {  	[dreg:$0x4] =	wrdreg $0xC0  }
0xab: {  	_ =	task [dreg:s7], $0x5FFFF  }
0xac: {  	[dreg:$0x1] =	wrdreg $0xFFFFFFFF  }
0xad: {  	[dreg:$0x0] =	wrdreg $0x60  }
0xae: {  	[dreg:$0x2] =	wrdreg s2  }
0xaf: {  	[dreg:$0x3] =	wrdreg s24  }
0xb0: {  	[dreg:$0x4] =	wrdreg $0x9  }
0xb1: {  	_ =	task.clear_ibuf [dreg:s7], $0x5FFFF;
	_ =	strace $0x90000046  }
0xb2: {  	s29 =	simm.s32 $0x9;
	_ =	strace $0x80000048  }
0xb3: {  	_ =	swait.ge [sflag:s29], $0x1  }
0xb4: {  	[sflag:s29] =	ssyncadd.s32 $0xFFFFFFFF  }
0xb5: {  	_ =	strace $0x90000048  }
0xb6: {  	_ =	sfence  }
0xb7: {  	s30 =	sld [smem:$0x0];
	_ =	sdelay $0x2  }
0xb8: {  	s31 =	sshll.u32 s1, $0xD;
	s1 =	sshrl.u32 s1, $0x2  }
0xb9: {  	s3 =	sand.u32 $0x4000, s31;
	s1 =	sadd.s32 s1, s30  }
0xba: {  	s0 =	sor.u32 s3, s0;
	s1 =	sshll.u32 s1, $0x11  }
0xbb: {  	s0 =	sor.u32 s1, s0  }
0xbc: {  	s0 =	sadd.s32 $0x8F2B, s0  }
0xbd: {  	[sflag:s0] =	ssyncadd.remote.s32 $0x1  }
0xbe: {  	_ =	sfence.sel $0xFFFF  }
0xbf: {  	[dreg:$0x0] =	wrdreg $0xFFFFFFFF;
	(pc) =	sbr.abs _section_cstart, $3  }
0xc0: {  	[dreg:$0x1] =	wrdreg $0xFFFFFFFF  }
0xc1: {  	_ =	task.clear_ibuf [dreg:s7], $0x2FFFF;
	_ =	strace $0x9FFFFFFF  }
0xc2: {  	(tm) =	ssettm $0x7FFFFFFF  }
0xc3: {  	_ =	shalt  }
tec
execute0_lowered:
.L_overlay_start_1:
0x0: {  	(tag) =	ssettag $0x1  }
0x1: {  	s5 =	rddreg [dreg:$0x0]  }
0x2: {  	s6 =	rddreg [dreg:$0x1]  }
0x3: {  	s0 =	rddreg [dreg:$0x2];
	s3 =	srdreg.scid  }
0x4: {  	s2 =	simm.s32 $0x0;
	s1 =	stileid.u32;
	s11 =	simm.s32 $0xC80  }
0x5: {  	s12 =	simm.s32 $0x1480;
	s13 =	simm.s32 $0x1880;
	s14 =	simm.s32 $0x2080  }
0x6: {  	s15 =	simm.s32 $0x2480;
	s16 =	simm.s32 $0x2C80;
	s17 =	simm.s32 $0x3080  }
0x7: {  	s18 =	simm.s32 $0x3880;
	s19 =	simm.s32 $0x3C80;
	s20 =	simm.s32 $0x4480  }
0x8: {  	s21 =	simm.s32 $0x4880;
	s22 =	simm.s32 $0x5080;
	s23 =	simm.s32 $0x5480  }
0x9: {  	s24 =	simm.s32 $0x5C80;
	s25 =	simm.s32 $0x1;
	s3 =	sand.u32 $0x1, s3  }
0xa: {  	[smem:$0x7FF] =	sst s2;
	s4 =	sshll.u32 s1, $0x4;
	s7 =	sshll.u32 s3, $0x3  }
0xb: {  	_ =	strace $0x80000047;
	s31 =	ssub.s32 $0x2, s3;
	s4 =	sor.u32 s7, s4  }
0xc: {  	s3 =	sadd.s32 $0x9200, s6;
	s9 =	sshrl.u32 s31, $0x1;
	s8 =	sadd.s32 s4, s6  }
0xd: {  	v2 =	vlaneseq.u32;
	s10 =	smul.u32 $0x180, s4;
	s7 =	ssub.s32 s31, s9;
	s6 =	sadd.s32 $0x9300, s6  }
0xe: {  	vm0 =	vmmov $0xffff;
	vm1 =	vmmov $0xff;
	v1 =	vshrl.u32 v2, $0x3;
	s9 =	simm.s32 $0x80;
	s4 =	sadd.s32 $0x9000, s8;
	s7 =	smax.u32 s7, $0x1  }
0xf: {  	v0 =	vand.u32 $0x7, v2;
	v2 =	vor.u32 $0x8, v2;
	v1 =	vmul.u32 $0x8, v1;
	s8 =	simm.s32 $0x2;
	s5 =	sadd.s32 s5, s10;
	s10 =	simm.s32 $0x880  }
.LBB2_1:
0x10: {  	[tilespmem:s2], [sflag:$0x2] =	stream.linear.gather [hbm4b:s4+s2], $0x40, $0x38;
	[tilespmem:$0x6080] =	vst v63  }
0x11: {  	_ =	swait.ge [sflag:s8], $0x40  }
0x12: {  	[sflag:s8] =	ssyncset.done $0x0  }
0x13: {  	[sflag:s8] =	ssyncadd.s32 $0xFFFFFFC0  }
0x14: {  	[tilespmem:s9], [sflag:$0x2] =	stream.linear.gather [hbm4b:s5+s2], $0x6000, $0x38;
	[tilespmem:$0x6080] =	vst v63  }
0x15: {  	_ =	swait.ge [sflag:s8], $0x6000  }
0x16: {  	[sflag:s8] =	ssyncset.done $0x0  }
0x17: {  	[sflag:s8] =	ssyncadd.s32 $0xFFFFA000  }
0x18: {  	v3 =	vld [tilespmem:$0x0];
	_ =	sdelay $0x4  }
0x19: {  	v4 =	vshrl.u32 v3, $0x3  }
0x1a: {  	v4 =	vmul.u32 $0x18, v4  }
0x1b: {  	v3 =	vand.u32 $0x7, v3  }
0x1c: {  	v3 =	vor.u32 v3, v4  }
0x1d: {  	v4 =	vperm.xlane v3, v0;
	_ =	sdelay $0x1  }
0x1e: {  	v4 =	vadd.s32 v1, v4;
	_ =	sdelay $0x1  }
0x1f: {  	v3 =	vperm.xlane v3, v2;
	_ =	sdelay $0x1  }
0x20: {  	v3 =	vadd.s32 v1, v3  }
0x21: {  	[hbm4b:s3+s2] =	stream.indirect_vreg.scatter [tilespmem:s9], [sflag:$0x1], $0x80, v4, vm0, $0xb8;
	[tilespmem:$0x6080] =	vst v63  }
0x22: {  	_ = 	snop  }
0x23: {  	[hbm4b:s6+s2] =	stream.indirect_vreg.scatter [tilespmem:s10], [sflag:$0x1], $0x80, v4, vm1, $0xb8;
	[tilespmem:$0x6080] =	vst v63  }
0x24: {  	_ = 	snop  }
0x25: {  	[hbm4b:s3+s2] =	stream.indirect_vreg.scatter [tilespmem:s11], [sflag:$0x1], $0x80, v3, vm0, $0xb8;
	[tilespmem:$0x6080] =	vst v63  }
0x26: {  	_ = 	snop  }
0x27: {  	[hbm4b:s6+s2] =	stream.indirect_vreg.scatter [tilespmem:s12], [sflag:$0x1], $0x80, v3, vm1, $0xb8;
	[tilespmem:$0x6080] =	vst v63  }
0x28: {  	v3 =	vld [tilespmem:$0x10];
	_ =	sdelay $0x4  }
0x29: {  	v61 =	vshrl.u32 v3, $0x3  }
0x2a: {  	v4 =	vmul.u32 $0x18, v61  }
0x2b: {  	v3 =	vand.u32 $0x7, v3  }
0x2c: {  	v3 =	vor.u32 v3, v4  }
0x2d: {  	v4 =	vperm.xlane v3, v0;
	_ =	sdelay $0x1  }
0x2e: {  	v4 =	vadd.s32 v1, v4;
	_ =	sdelay $0x1  }
0x2f: {  	v3 =	vperm.xlane v3, v2;
	_ =	sdelay $0x1  }
0x30: {  	v3 =	vadd.s32 v1, v3  }
0x31: {  	[hbm4b:s3+s2] =	stream.indirect_vreg.scatter [tilespmem:s13], [sflag:$0x1], $0x80, v4, vm0, $0xb8;
	[tilespmem:$0x6080] =	vst v63  }
0x32: {  	_ = 	snop  }
0x33: {  	[hbm4b:s6+s2] =	stream.indirect_vreg.scatter [tilespmem:s14], [sflag:$0x1], $0x80, v4, vm1, $0xb8;
	[tilespmem:$0x6080] =	vst v63  }
0x34: {  	_ = 	snop  }
0x35: {  	[hbm4b:s3+s2] =	stream.indirect_vreg.scatter [tilespmem:s15], [sflag:$0x1], $0x80, v3, vm0, $0xb8;
	[tilespmem:$0x6080] =	vst v63  }
0x36: {  	_ = 	snop  }
0x37: {  	[hbm4b:s6+s2] =	stream.indirect_vreg.scatter [tilespmem:s16], [sflag:$0x1], $0x80, v3, vm1, $0xb8;
	[tilespmem:$0x6080] =	vst v63  }
0x38: {  	v3 =	vld [tilespmem:$0x20];
	_ =	sdelay $0x4  }
0x39: {  	v62 =	vshrl.u32 v3, $0x3  }
0x3a: {  	v4 =	vmul.u32 $0x18, v62  }
0x3b: {  	v3 =	vand.u32 $0x7, v3  }
0x3c: {  	v3 =	vor.u32 v3, v4  }
0x3d: {  	v4 =	vperm.xlane v3, v0;
	_ =	sdelay $0x1  }
0x3e: {  	v4 =	vadd.s32 v1, v4;
	_ =	sdelay $0x1  }
0x3f: {  	v3 =	vperm.xlane v3, v2;
	_ =	sdelay $0x1  }
0x40: {  	v3 =	vadd.s32 v1, v3  }
0x41: {  	[hbm4b:s3+s2] =	stream.indirect_vreg.scatter [tilespmem:s17], [sflag:$0x1], $0x80, v4, vm0, $0xb8;
	[tilespmem:$0x6080] =	vst v63  }
0x42: {  	_ = 	snop  }
0x43: {  	[hbm4b:s6+s2] =	stream.indirect_vreg.scatter [tilespmem:s18], [sflag:$0x1], $0x80, v4, vm1, $0xb8;
	[tilespmem:$0x6080] =	vst v63  }
0x44: {  	_ = 	snop  }
0x45: {  	[hbm4b:s3+s2] =	stream.indirect_vreg.scatter [tilespmem:s19], [sflag:$0x1], $0x80, v3, vm0, $0xb8;
	[tilespmem:$0x6080] =	vst v63  }
0x46: {  	_ = 	snop  }
0x47: {  	[hbm4b:s6+s2] =	stream.indirect_vreg.scatter [tilespmem:s20], [sflag:$0x1], $0x80, v3, vm1, $0xb8;
	[tilespmem:$0x6080] =	vst v63  }
0x48: {  	v3 =	vld [tilespmem:$0x30];
	_ =	sdelay $0x4  }
0x49: {  	v63 =	vshrl.u32 v3, $0x3  }
0x4a: {  	v4 =	vmul.u32 $0x18, v63  }
0x4b: {  	v3 =	vand.u32 $0x7, v3  }
0x4c: {  	v3 =	vor.u32 v3, v4  }
0x4d: {  	v4 =	vperm.xlane v3, v0;
	_ =	sdelay $0x1  }
0x4e: {  	v4 =	vadd.s32 v1, v4;
	_ =	sdelay $0x1  }
0x4f: {  	v3 =	vperm.xlane v3, v2;
	_ =	sdelay $0x1  }
0x50: {  	v3 =	vadd.s32 v1, v3  }
0x51: {  	[hbm4b:s3+s2] =	stream.indirect_vreg.scatter [tilespmem:s21], [sflag:$0x1], $0x80, v4, vm0, $0xb8;
	[tilespmem:$0x6080] =	vst v63  }
0x52: {  	_ = 	snop  }
0x53: {  	[hbm4b:s6+s2] =	stream.indirect_vreg.scatter [tilespmem:s22], [sflag:$0x1], $0x80, v4, vm1, $0xb8;
	[tilespmem:$0x6080] =	vst v63  }
0x54: {  	p0 =	sne.s32 s7, $0x1  }
0x55: {  	[hbm4b:s3+s2] =	stream.indirect_vreg.scatter [tilespmem:s23], [sflag:$0x1], $0x80, v3, vm0, $0xb8;
	[tilespmem:$0x6080] =	vst v63  }
.Ltmp0:
0x56: {  	_ = 	snop;
	(pc) =	sbr.rel @p0 .LBB2_1-.Ltmp0, $4  }
0x57: {  	[hbm4b:s6+s2] =	stream.indirect_vreg.scatter [tilespmem:s24], [sflag:$0x1], $0x80, v3, vm1, $0xb8;
	[tilespmem:$0x6080] =	vst v63  }
0x58: {  	_ =	swait.ge [sflag:s25], $0x6000  }
0x59: {  	[sflag:s25] =	ssyncset.done $0x0  }
0x5a: {  	s7 =	sadd.s32 $0xFFFFFFFF, s7;
	[sflag:s25] =	ssyncadd.s32 $0xFFFFA000  }
0x5b: {  	_ =	sfence.sel $0x180000  }
0x5c: {  	[bflag:$0x0] =	sbarrier.arrive $0xFFFF  }
0x5d: {  	p0 =	sne.s32 s1, $0x0;
	_ =	strace $0x90000047  }
0x5e: {  	s0 =	sadd.s32 @!p0 $0x100000, s0;
	[bflag:$0x2] =	sbarrier.arrive $0xFFFF  }
0x5f: {  	[sflag:s0] =	ssyncadd.tile.s32 @!p0 $0x1;
	_ =	shalt  }
.Lfunc_end2:
_tile_overlayer_lowered:
.L_overlay_start_2:
0x60: {  	(tag) =	ssettag $0x2  }
0x61: {  	s0 =	rddreg [dreg:$0x0];
	s2 =	stileid.u32  }
0x62: {  	s1 =	rddreg [dreg:$0x1];
	p0 =	sne.s32 s2, $0x0  }
0x63: {  	s3 =	rddreg [dreg:$0x2];
	[bflag:$0x3] =	sbarrier.arrive $0xFFFF;
	s2 =	simm.s32 @!p0 $0x1C02  }
0x64: {  	[timem:s3], [sflag:s2] =	dma.local @!p0 [hbm:s0], s1  }
0x65: {  	s0 =	simm.s32 @!p0 $0x2  }
0x66: {  	_ =	swait.ge @!p0 [sflag:s0], s1  }
0x67: {  	s1 =	ssub.s32 @!p0 $0x0, s1;
	[sflag:s0] =	ssyncset.done @!p0 $0x0  }
0x68: {  	[sflag:s0] =	ssyncadd.s32 @!p0 s1  }
0x69: {  	[bflag:$0x3] =	sbarrier.arrive $0xFFFF  }
0x6a: {  	_ =	shalt  }

</sc_bundles>
